<compile_context>
chip_gen: v7x
topology: tpu7x:2x2x1
jax: 0.10.2.dev20260603
libtpu: 0.0.44.dev20260713+nightly
codegen_flags: <defaults>
</compile_context>

<pallas_src>
import functools

import jax
import jax.numpy as jnp
from jax import lax
from jax.experimental import pallas as pl
from jax.experimental.pallas import tpu as pltpu
from jax.experimental.pallas import tpu_sc as plsc

N = 10000
E1 = 320000
E2 = 160000
D1 = 5000
D2 = 1000
F_IN = 128
H = 128
C = 47

NC = 2
NS = 16
NW = NC * NS
L = 16

CHUNK = 128

R1 = 5120
E1P = 327680
EPT1 = E1P // NW
NCH1 = EPT1 // CHUNK

R2 = 1024
E2P = 163840
EPT2 = E2P // NW
NCH2 = EPT2 // CHUNK


def _sc_segsum(table, src_r, dst_r, *, rows, nchunks):
    mesh = plsc.VectorSubcoreMesh(core_axis_name="c", subcore_axis_name="s")
    per_tile = rows // NS

    @functools.partial(
        pl.kernel,
        mesh=mesh,
        compiler_params=pltpu.CompilerParams(needs_layout_passes=False),
        out_type=[
            jax.ShapeDtypeStruct((NC, rows, F_IN), jnp.float32),
            jax.ShapeDtypeStruct((NW, rows), jnp.float32),
        ],
        scratch_types=[
            pltpu.VMEM((nchunks, CHUNK), jnp.int32),
            pltpu.VMEM((nchunks, CHUNK), jnp.int32),
            [pltpu.VMEM((CHUNK, F_IN), jnp.float32)] * 2,
            pltpu.VMEM((rows,), jnp.float32),
            pltpu.VMEM_SHARED((rows, F_IN), jnp.float32),
            [pltpu.SemaphoreType.DMA] * 2,
        ],
    )
    def k(table_hbm, src_hbm, dst_hbm, parts_hbm, degs_hbm,
          src_v, dst_v, rows_v, deg_v, acc_sh, sem_g):
        c = lax.axis_index("c")
        s = lax.axis_index("s")
        wid = c * NS + s
        pltpu.sync_copy(src_hbm.at[wid], src_v)
        pltpu.sync_copy(dst_hbm.at[wid], dst_v)

        def zrow(i, carry):
            for kk in range(F_IN // L):
                rows_v[0][i, pl.ds(kk * L, L)] = jnp.zeros((L,), jnp.float32)
            return carry

        lax.fori_loop(0, CHUNK, zrow, 0)
        off = 0
        while off < per_tile:
            size = min(CHUNK, per_tile - off)
            pltpu.sync_copy(rows_v[0].at[pl.ds(0, size)],
                            acc_sh.at[pl.ds(s * per_tile + off, size)])
            off += size

        def zbody(i, carry):
            deg_v[pl.ds(pl.multiple_of(i * L, L), L)] = jnp.zeros((L,), jnp.float32)
            return carry

        lax.fori_loop(0, rows // L, zbody, 0)
        plsc.subcore_barrier()

        ones = jnp.ones((L,), jnp.float32)

        def hist(j):
            for kk in range(CHUNK // L):
                idx = dst_v[j, pl.ds(kk * L, L)]
                plsc.addupdate_scatter(deg_v, [idx], ones)

        def g_start(j, b):
            pltpu.async_copy(table_hbm.at[src_v.at[j]], rows_v[b], sem_g[b])

        def g_wait(b):
            pltpu.make_async_copy(table_hbm.at[src_v.at[0]], rows_v[b],
                                  sem_g[b]).wait()

        g_start(0, 0)
        hist(0)

        def body(i, carry):
            j = 2 * i
            g_wait(0)
            g_start(j + 1, 1)
            hist(j + 1)
            pltpu.sync_copy(rows_v[0], acc_sh.at[dst_v.at[j]], add=True)
            g_wait(1)
            jn = jnp.minimum(j + 2, nchunks - 1)
            g_start(jn, 0)

            @pl.when(i + 1 < nchunks // 2)
            def _():
                hist(j + 2)

            pltpu.sync_copy(rows_v[1], acc_sh.at[dst_v.at[j + 1]], add=True)
            return carry

        lax.fori_loop(0, nchunks // 2, body, 0)
        g_wait(0)
        pltpu.sync_copy(deg_v, degs_hbm.at[wid])
        plsc.subcore_barrier()
        pltpu.sync_copy(acc_sh.at[pl.ds(s * per_tile, per_tile)],
                        parts_hbm.at[c, pl.ds(s * per_tile, per_tile)])

    return k(table, src_r, dst_r)


def _tc_layer1(parts1, degs1, x5, W1_self, W1_neigh, b1, W2_self, b2):
    def body(p_ref, d_ref, x_ref, w1s_ref, w1n_ref, b1_ref, w2s_ref, b2_ref,
             h_ref, oself_ref):
        feats = (p_ref[0] + p_ref[1])[:D1]
        deg = jnp.maximum(jnp.sum(d_ref[...], axis=0), 1.0)[:D1, None]
        agg = feats / deg
        h = x_ref[...] @ w1s_ref[...] + agg @ w1n_ref[...] + b1_ref[...]
        h = jnp.maximum(h, 0.0)
        h_ref[...] = h
        oself_ref[...] = h[:D2] @ w2s_ref[...] + b2_ref[...]

    return pl.pallas_call(
        body,
        out_shape=[
            jax.ShapeDtypeStruct((D1, H), jnp.float32),
            jax.ShapeDtypeStruct((D2, C), jnp.float32),
        ],
    )(parts1, degs1, x5, W1_self, W1_neigh, b1, W2_self, b2)


def _tc_layer2(parts2, degs2, oself, W2_neigh):
    def body(p_ref, d_ref, os_ref, w2n_ref, out_ref):
        feats = (p_ref[0] + p_ref[1])[:D2]
        deg = jnp.maximum(jnp.sum(d_ref[...], axis=0), 1.0)[:D2, None]
        agg = feats / deg
        out_ref[...] = os_ref[...] + agg @ w2n_ref[...]

    return pl.pallas_call(
        body,
        out_shape=jax.ShapeDtypeStruct((D2, C), jnp.float32),
    )(parts2, degs2, oself, W2_neigh)


def kernel(x, src1, dst1, src2, dst2, num_dst1, num_dst2,
           W1_self, W1_neigh, b1, W2_self, W2_neigh, b2):
    npad1 = E1P - E1
    pad_idx1 = jnp.arange(npad1, dtype=jnp.int32)
    src1_p = jnp.concatenate([src1, pad_idx1 % N])
    dst1_p = jnp.concatenate([dst1, D1 + pad_idx1 % (R1 - D1)])
    src1_r = src1_p.reshape(NW, NCH1, CHUNK)
    dst1_r = dst1_p.reshape(NW, NCH1, CHUNK)
    npad2 = E2P - E2
    pad_idx2 = jnp.arange(npad2, dtype=jnp.int32)
    src2_p = jnp.concatenate([src2, pad_idx2 % D2])
    dst2_p = jnp.concatenate([dst2, D2 + pad_idx2 % (R2 - D2)])
    src2_r = src2_p.reshape(NW, NCH2, CHUNK)
    dst2_r = dst2_p.reshape(NW, NCH2, CHUNK)
    b1r = b1.reshape(1, H)
    b2r = b2.reshape(1, C)
    x5 = x[:D1]

    parts1, degs1 = _sc_segsum(x, src1_r, dst1_r, rows=R1, nchunks=NCH1)
    h, oself = _tc_layer1(parts1, degs1, x5, W1_self, W1_neigh, b1r, W2_self, b2r)
    parts2, degs2 = _sc_segsum(h, src2_r, dst2_r, rows=R2, nchunks=NCH2)
    return _tc_layer2(parts2, degs2, oself, W2_neigh)

# --- scband reference (transcript-rebuilt; emitter-appended) ---
"""Pipeline reference for scband-model-2310692406033 (READ-ONLY COPY).

The authoritative reference and input builder live on the scoring server;
editing this copy changes nothing except your own understanding.
"""

import jax, jax.numpy as jnp
import numpy as np

N = 10000
E1 = 320000
E2 = 160000
D1 = 5000
D2 = 1000
F_IN = 128
H = 128
C = 47


def setup_inputs(seed: int = 0) -> dict:
    key = jax.random.key(seed)
    ks = jax.random.split(key, 12)
    x = jax.random.normal(ks[0], (N, F_IN), dtype=jnp.float32)
    src1 = jax.random.randint(ks[1], (E1,), 0, N, dtype=jnp.int32)
    dst1 = jax.random.randint(ks[2], (E1,), 0, D1, dtype=jnp.int32)
    src2 = jax.random.randint(ks[3], (E2,), 0, D1, dtype=jnp.int32)
    dst2 = jax.random.randint(ks[4], (E2,), 0, D2, dtype=jnp.int32)
    s1 = 1.0 / np.sqrt(F_IN)
    s2 = 1.0 / np.sqrt(H)
    W1_self = jax.random.uniform(ks[5], (F_IN, H), dtype=jnp.float32, minval=-s1, maxval=s1)
    W1_neigh = jax.random.uniform(ks[6], (F_IN, H), dtype=jnp.float32, minval=-s1, maxval=s1)
    b1 = jnp.zeros((H,), dtype=jnp.float32)
    W2_self = jax.random.uniform(ks[7], (H, C), dtype=jnp.float32, minval=-s2, maxval=s2)
    W2_neigh = jax.random.uniform(ks[8], (H, C), dtype=jnp.float32, minval=-s2, maxval=s2)
    b2 = jnp.zeros((C,), dtype=jnp.float32)
    return {
        'x': x, 'src1': src1, 'dst1': dst1, 'src2': src2, 'dst2': dst2,
        'num_dst1': D1, 'num_dst2': D2,
        'W1_self': W1_self, 'W1_neigh': W1_neigh, 'b1': b1,
        'W2_self': W2_self, 'W2_neigh': W2_neigh, 'b2': b2,
    }


def _sage_mean(feat_src, feat_dst, src, dst, num_dst, W_self, W_neigh, b):
    # DGL SAGEConv(aggregator_type='mean'): fc_self(h_dst) + fc_neigh(mean_u in N(v) h_u) + bias
    num_segments = feat_dst.shape[0]
    deg = jax.ops.segment_sum(jnp.ones_like(dst, dtype=jnp.float32), dst, num_segments=num_segments)
    deg = jnp.clip(deg, 1.0, None)
    gathered = jnp.take(feat_src, src, axis=0)
    agg = jax.ops.segment_sum(gathered, dst, num_segments=num_segments) / deg[:, None]
    return feat_dst @ W_self + agg @ W_neigh + b


def reference(x, src1, dst1, src2, dst2, num_dst1, num_dst2, W1_self, W1_neigh, b1, W2_self, W2_neigh, b2):
    # Layer 1: MFG block 1 (10000 src -> 5000 dst)
    h_dst1 = jax.lax.dynamic_slice_in_dim(x, num_dst1 - D1, D1, axis=0)
    h = _sage_mean(x, h_dst1, src1, dst1, num_dst1, W1_self, W1_neigh, b1)
    h = jax.nn.relu(h)
    # Layer 2: MFG block 2 (5000 src -> 1000 dst)
    h_dst2 = jax.lax.dynamic_slice_in_dim(h, num_dst2 - D2, D2, axis=0)
    out = _sage_mean(h, h_dst2, src2, dst2, num_dst2, W2_self, W2_neigh, b2)
    return out

if __name__ == "__main__":
    import jax
    _d = setup_inputs()
    print(jax.jit(kernel)(*tuple(_d.values())))

</pallas_src>

<mosaic_0001>
#map = affine_map<(d0, d1) -> (0, 0)>
#map1 = affine_map<(d0, d1) -> (0, 0, 0)>
module attributes {stable_mosaic.version = 14 : i64} {
  func.func @k(%arg0: i32, %arg1: i32, %arg2: memref<5000x128xf32, #tpu.memory_space<hbm>>, %arg3: memref<32x40x128xi32, #tpu.memory_space<hbm>>, %arg4: memref<32x40x128xi32, #tpu.memory_space<hbm>>, %arg5: memref<2x1024x128xf32, #tpu.memory_space<hbm>>, %arg6: memref<32x1024xf32, #tpu.memory_space<hbm>>, %arg7: memref<40x128xi32, #tpu.memory_space<vmem>>, %arg8: memref<40x128xi32, #tpu.memory_space<vmem>>, %arg9: memref<128x128xf32, #tpu.memory_space<vmem>>, %arg10: memref<128x128xf32, #tpu.memory_space<vmem>>, %arg11: memref<1024xf32, #tpu.memory_space<vmem>>, %arg12: memref<1024x128xf32, #tpu.memory_space<vmem_shared>>, %arg13: memref<!tpu.dma_semaphore, #tpu.memory_space<semaphore_mem>>, %arg14: memref<!tpu.dma_semaphore, #tpu.memory_space<semaphore_mem>>) attributes {dimension_semantics = [#tpu.dimension_semantics<core_parallel>, #tpu.dimension_semantics<subcore_parallel>], iteration_bounds = array<i64: 2, 16>, scalar_prefetch = 0 : i64, scratch_operands = 8 : i64, tpu.core_type = #tpu.core_type<sc_vector_subcore>, window_params = [{transform_indices = #map}, {transform_indices = #map1}, {transform_indices = #map1}, {transform_indices = #map1}, {transform_indices = #map}]} {
    %mul3A = arith.constant 16 : i32
    %mul3A_0 = arith.muli %arg0, %mul3A : i32
    %add3A = arith.addi %mul3A_0, %arg1 : i32
    "tpu.region"() ({
      %run_scoped3A = tpu.sem_alloc : memref<!tpu.dma_semaphore, #tpu.memory_space<semaphore_mem>>
      %dma_start3A_71 = arith.constant 0 : i32
      %dma_start3A_72 = arith.constant 0 : i32
      %dma_start3A_73 = tpu.memref_slice %arg3[%add3A, %dma_start3A_71, %dma_start3A_72] : memref<32x40x128xi32, #tpu.memory_space<hbm>> -> memref<1x40x128xi32, #tpu.memory_space<hbm>>
      %dma_start3A_74 = tpu.memref_squeeze %dma_start3A_73 : memref<1x40x128xi32, #tpu.memory_space<hbm>> -> memref<40x128xi32, #tpu.memory_space<hbm>>
      %dma_start3A_75 = arith.constant 0 : i32
      %dma_start3A_76 = arith.constant 0 : i32
      %dma_start3A_77 = tpu.memref_slice %arg3[%add3A, %dma_start3A_75, %dma_start3A_76] : memref<32x40x128xi32, #tpu.memory_space<hbm>> -> memref<1x40x128xi32, #tpu.memory_space<hbm>>
      %dma_start3A_78 = tpu.memref_squeeze %dma_start3A_77 : memref<1x40x128xi32, #tpu.memory_space<hbm>> -> memref<40x128xi32, #tpu.memory_space<hbm>>
      tpu.enqueue_dma source(%dma_start3A_78 : memref<40x128xi32, #tpu.memory_space<hbm>>) target(%arg7 : memref<40x128xi32, #tpu.memory_space<vmem>>) target_semaphore(%run_scoped3A : memref<!tpu.dma_semaphore, #tpu.memory_space<semaphore_mem>>)
      %dma_wait3A_79 = arith.constant 0 : i32
      %dma_wait3A_80 = arith.constant 0 : i32
      %dma_wait3A_81 = tpu.memref_slice %arg3[%add3A, %dma_wait3A_79, %dma_wait3A_80] : memref<32x40x128xi32, #tpu.memory_space<hbm>> -> memref<1x40x128xi32, #tpu.memory_space<hbm>>
      %dma_wait3A_82 = tpu.memref_squeeze %dma_wait3A_81 : memref<1x40x128xi32, #tpu.memory_space<hbm>> -> memref<40x128xi32, #tpu.memory_space<hbm>>
      %dma_wait3A_83 = arith.constant 0 : i32
      %dma_wait3A_84 = arith.constant 0 : i32
      %dma_wait3A_85 = tpu.memref_slice %arg3[%add3A, %dma_wait3A_83, %dma_wait3A_84] : memref<32x40x128xi32, #tpu.memory_space<hbm>> -> memref<1x40x128xi32, #tpu.memory_space<hbm>>
      %dma_wait3A_86 = tpu.memref_squeeze %dma_wait3A_85 : memref<1x40x128xi32, #tpu.memory_space<hbm>> -> memref<40x128xi32, #tpu.memory_space<hbm>>
      tpu.wait_dma2 semaphore(%run_scoped3A : memref<!tpu.dma_semaphore, #tpu.memory_space<semaphore_mem>>) src(%dma_wait3A_86 : memref<40x128xi32, #tpu.memory_space<hbm>>) dst(%arg7 : memref<40x128xi32, #tpu.memory_space<vmem>>)
      tpu.yield
    }) : () -> ()
    "tpu.region"() ({
      %run_scoped3A = tpu.sem_alloc : memref<!tpu.dma_semaphore, #tpu.memory_space<semaphore_mem>>
      %dma_start3A_71 = arith.constant 0 : i32
      %dma_start3A_72 = arith.constant 0 : i32
      %dma_start3A_73 = tpu.memref_slice %arg4[%add3A, %dma_start3A_71, %dma_start3A_72] : memref<32x40x128xi32, #tpu.memory_space<hbm>> -> memref<1x40x128xi32, #tpu.memory_space<hbm>>
      %dma_start3A_74 = tpu.memref_squeeze %dma_start3A_73 : memref<1x40x128xi32, #tpu.memory_space<hbm>> -> memref<40x128xi32, #tpu.memory_space<hbm>>
      %dma_start3A_75 = arith.constant 0 : i32
      %dma_start3A_76 = arith.constant 0 : i32
      %dma_start3A_77 = tpu.memref_slice %arg4[%add3A, %dma_start3A_75, %dma_start3A_76] : memref<32x40x128xi32, #tpu.memory_space<hbm>> -> memref<1x40x128xi32, #tpu.memory_space<hbm>>
      %dma_start3A_78 = tpu.memref_squeeze %dma_start3A_77 : memref<1x40x128xi32, #tpu.memory_space<hbm>> -> memref<40x128xi32, #tpu.memory_space<hbm>>
      tpu.enqueue_dma source(%dma_start3A_78 : memref<40x128xi32, #tpu.memory_space<hbm>>) target(%arg8 : memref<40x128xi32, #tpu.memory_space<vmem>>) target_semaphore(%run_scoped3A : memref<!tpu.dma_semaphore, #tpu.memory_space<semaphore_mem>>)
      %dma_wait3A_79 = arith.constant 0 : i32
      %dma_wait3A_80 = arith.constant 0 : i32
      %dma_wait3A_81 = tpu.memref_slice %arg4[%add3A, %dma_wait3A_79, %dma_wait3A_80] : memref<32x40x128xi32, #tpu.memory_space<hbm>> -> memref<1x40x128xi32, #tpu.memory_space<hbm>>
      %dma_wait3A_82 = tpu.memref_squeeze %dma_wait3A_81 : memref<1x40x128xi32, #tpu.memory_space<hbm>> -> memref<40x128xi32, #tpu.memory_space<hbm>>
      %dma_wait3A_83 = arith.constant 0 : i32
      %dma_wait3A_84 = arith.constant 0 : i32
      %dma_wait3A_85 = tpu.memref_slice %arg4[%add3A, %dma_wait3A_83, %dma_wait3A_84] : memref<32x40x128xi32, #tpu.memory_space<hbm>> -> memref<1x40x128xi32, #tpu.memory_space<hbm>>
      %dma_wait3A_86 = tpu.memref_squeeze %dma_wait3A_85 : memref<1x40x128xi32, #tpu.memory_space<hbm>> -> memref<40x128xi32, #tpu.memory_space<hbm>>
      tpu.wait_dma2 semaphore(%run_scoped3A : memref<!tpu.dma_semaphore, #tpu.memory_space<semaphore_mem>>) src(%dma_wait3A_86 : memref<40x128xi32, #tpu.memory_space<hbm>>) dst(%arg8 : memref<40x128xi32, #tpu.memory_space<vmem>>)
      tpu.yield
    }) : () -> ()
    %scan3A = arith.constant 0 : i32
    %scan3A_1 = arith.constant 0 : i32
    %scan3A_2 = arith.constant 128 : i32
    %scan3A_3 = arith.addi %scan3A_1, %scan3A_2 : i32
    %scan3A_4 = arith.constant 1 : i32
    scf.for %scan3A_71 = %scan3A_1 to %scan3A_3 step %scan3A_4  : i32 {
      %broadcast_in_dim3A_72 = arith.constant 0.000000e+00 : f32
      %broadcast_in_dim3A_73 = vector.broadcast %broadcast_in_dim3A_72 : f32 to vector<16xf32>
      %swap3A = arith.index_cast %scan3A_71 : i32 to index
      %swap3A_74 = arith.constant 0 : index
      %swap3A_75 = tpu.vector_load %arg9[%swap3A, %swap3A_74] {strides = array<i32>} : memref<128x128xf32, #tpu.memory_space<vmem>>, vector<16xf32>,
      tpu.vector_store %arg9[%swap3A, %swap3A_74], %broadcast_in_dim3A_73 {strides = array<i32>} : memref<128x128xf32, #tpu.memory_space<vmem>>, vector<16xf32>,
      %broadcast_in_dim3A_76 = arith.constant 0.000000e+00 : f32
      %broadcast_in_dim3A_77 = vector.broadcast %broadcast_in_dim3A_76 : f32 to vector<16xf32>
      %swap3A_78 = arith.index_cast %scan3A_71 : i32 to index
      %swap3A_79 = arith.constant 16 : index
      %swap3A_80 = tpu.vector_load %arg9[%swap3A_78, %swap3A_79] {strides = array<i32>} : memref<128x128xf32, #tpu.memory_space<vmem>>, vector<16xf32>,
      tpu.vector_store %arg9[%swap3A_78, %swap3A_79], %broadcast_in_dim3A_77 {strides = array<i32>} : memref<128x128xf32, #tpu.memory_space<vmem>>, vector<16xf32>,
      %broadcast_in_dim3A_81 = arith.constant 0.000000e+00 : f32
      %broadcast_in_dim3A_82 = vector.broadcast %broadcast_in_dim3A_81 : f32 to vector<16xf32>
      %swap3A_83 = arith.index_cast %scan3A_71 : i32 to index
      %swap3A_84 = arith.constant 32 : index
      %swap3A_85 = tpu.vector_load %arg9[%swap3A_83, %swap3A_84] {strides = array<i32>} : memref<128x128xf32, #tpu.memory_space<vmem>>, vector<16xf32>,
      tpu.vector_store %arg9[%swap3A_83, %swap3A_84], %broadcast_in_dim3A_82 {strides = array<i32>} : memref<128x128xf32, #tpu.memory_space<vmem>>, vector<16xf32>,
      %broadcast_in_dim3A_86 = arith.constant 0.000000e+00 : f32
      %broadcast_in_dim3A_87 = vector.broadcast %broadcast_in_dim3A_86 : f32 to vector<16xf32>
      %swap3A_88 = arith.index_cast %scan3A_71 : i32 to index
      %swap3A_89 = arith.constant 48 : index
      %swap3A_90 = tpu.vector_load %arg9[%swap3A_88, %swap3A_89] {strides = array<i32>} : memref<128x128xf32, #tpu.memory_space<vmem>>, vector<16xf32>,
      tpu.vector_store %arg9[%swap3A_88, %swap3A_89], %broadcast_in_dim3A_87 {strides = array<i32>} : memref<128x128xf32, #tpu.memory_space<vmem>>, vector<16xf32>,
      %broadcast_in_dim3A_91 = arith.constant 0.000000e+00 : f32
      %broadcast_in_dim3A_92 = vector.broadcast %broadcast_in_dim3A_91 : f32 to vector<16xf32>
      %swap3A_93 = arith.index_cast %scan3A_71 : i32 to index
      %swap3A_94 = arith.constant 64 : index
      %swap3A_95 = tpu.vector_load %arg9[%swap3A_93, %swap3A_94] {strides = array<i32>} : memref<128x128xf32, #tpu.memory_space<vmem>>, vector<16xf32>,
      tpu.vector_store %arg9[%swap3A_93, %swap3A_94], %broadcast_in_dim3A_92 {strides = array<i32>} : memref<128x128xf32, #tpu.memory_space<vmem>>, vector<16xf32>,
      %broadcast_in_dim3A_96 = arith.constant 0.000000e+00 : f32
      %broadcast_in_dim3A_97 = vector.broadcast %broadcast_in_dim3A_96 : f32 to vector<16xf32>
      %swap3A_98 = arith.index_cast %scan3A_71 : i32 to index
      %swap3A_99 = arith.constant 80 : index
      %swap3A_100 = tpu.vector_load %arg9[%swap3A_98, %swap3A_99] {strides = array<i32>} : memref<128x128xf32, #tpu.memory_space<vmem>>, vector<16xf32>,
      tpu.vector_store %arg9[%swap3A_98, %swap3A_99], %broadcast_in_dim3A_97 {strides = array<i32>} : memref<128x128xf32, #tpu.memory_space<vmem>>, vector<16xf32>,
      %broadcast_in_dim3A_101 = arith.constant 0.000000e+00 : f32
      %broadcast_in_dim3A_102 = vector.broadcast %broadcast_in_dim3A_101 : f32 to vector<16xf32>
      %swap3A_103 = arith.index_cast %scan3A_71 : i32 to index
      %swap3A_104 = arith.constant 96 : index
      %swap3A_105 = tpu.vector_load %arg9[%swap3A_103, %swap3A_104] {strides = array<i32>} : memref<128x128xf32, #tpu.memory_space<vmem>>, vector<16xf32>,
      tpu.vector_store %arg9[%swap3A_103, %swap3A_104], %broadcast_in_dim3A_102 {strides = array<i32>} : memref<128x128xf32, #tpu.memory_space<vmem>>, vector<16xf32>,
      %broadcast_in_dim3A_106 = arith.constant 0.000000e+00 : f32
      %broadcast_in_dim3A_107 = vector.broadcast %broadcast_in_dim3A_106 : f32 to vector<16xf32>
      %swap3A_108 = arith.index_cast %scan3A_71 : i32 to index
      %swap3A_109 = arith.constant 112 : index
      %swap3A_110 = tpu.vector_load %arg9[%swap3A_108, %swap3A_109] {strides = array<i32>} : memref<128x128xf32, #tpu.memory_space<vmem>>, vector<16xf32>,
      tpu.vector_store %arg9[%swap3A_108, %swap3A_109], %broadcast_in_dim3A_107 {strides = array<i32>} : memref<128x128xf32, #tpu.memory_space<vmem>>, vector<16xf32>,
    }
    %scan3A_5 = arith.constant 128 : i32
    %mul3A_6 = arith.constant 64 : i32
    %mul3A_7 = arith.muli %arg1, %mul3A_6 : i32
    %add3A_8 = arith.constant 0 : i32
    %add3A_9 = arith.addi %mul3A_7, %add3A_8 : i32
    "tpu.region"() ({
      %run_scoped3A = tpu.sem_alloc : memref<!tpu.dma_semaphore, #tpu.memory_space<semaphore_mem>>
      %dma_start3A_71 = arith.constant 0 : i32
      %dma_start3A_72 = arith.constant 0 : i32
      %dma_start3A_73 = tpu.memref_slice %arg9[%dma_start3A_71, %dma_start3A_72] : memref<128x128xf32, #tpu.memory_space<vmem>> -> memref<64x128xf32, #tpu.memory_space<vmem>>
      %dma_start3A_74 = arith.constant 0 : i32
      %dma_start3A_75 = tpu.memref_slice %arg12[%add3A_9, %dma_start3A_74] : memref<1024x128xf32, #tpu.memory_space<vmem_shared>> -> memref<64x128xf32, #tpu.memory_space<vmem_shared>>
      %dma_start3A_76 = arith.constant 0 : i32
      %dma_start3A_77 = tpu.memref_slice %arg12[%add3A_9, %dma_start3A_76] : memref<1024x128xf32, #tpu.memory_space<vmem_shared>> -> memref<64x128xf32, #tpu.memory_space<vmem_shared>>
      %dma_start3A_78 = arith.constant 0 : i32
      %dma_start3A_79 = arith.constant 0 : i32
      %dma_start3A_80 = tpu.memref_slice %arg9[%dma_start3A_78, %dma_start3A_79] : memref<128x128xf32, #tpu.memory_space<vmem>> -> memref<64x128xf32, #tpu.memory_space<vmem>>
      tpu.enqueue_dma source(%dma_start3A_80 : memref<64x128xf32, #tpu.memory_space<vmem>>) target(%dma_start3A_77 : memref<64x128xf32, #tpu.memory_space<vmem_shared>>) target_semaphore(%run_scoped3A : memref<!tpu.dma_semaphore, #tpu.memory_space<semaphore_mem>>)
      %dma_wait3A_81 = arith.constant 0 : i32
      %dma_wait3A_82 = arith.constant 0 : i32
      %dma_wait3A_83 = tpu.memref_slice %arg9[%dma_wait3A_81, %dma_wait3A_82] : memref<128x128xf32, #tpu.memory_space<vmem>> -> memref<64x128xf32, #tpu.memory_space<vmem>>
      %dma_wait3A_84 = arith.constant 0 : i32
      %dma_wait3A_85 = tpu.memref_slice %arg12[%add3A_9, %dma_wait3A_84] : memref<1024x128xf32, #tpu.memory_space<vmem_shared>> -> memref<64x128xf32, #tpu.memory_space<vmem_shared>>
      %dma_wait3A_86 = arith.constant 0 : i32
      %dma_wait3A_87 = tpu.memref_slice %arg12[%add3A_9, %dma_wait3A_86] : memref<1024x128xf32, #tpu.memory_space<vmem_shared>> -> memref<64x128xf32, #tpu.memory_space<vmem_shared>>
      %dma_wait3A_88 = arith.constant 0 : i32
      %dma_wait3A_89 = arith.constant 0 : i32
      %dma_wait3A_90 = tpu.memref_slice %arg9[%dma_wait3A_88, %dma_wait3A_89] : memref<128x128xf32, #tpu.memory_space<vmem>> -> memref<64x128xf32, #tpu.memory_space<vmem>>
      tpu.wait_dma2 semaphore(%run_scoped3A : memref<!tpu.dma_semaphore, #tpu.memory_space<semaphore_mem>>) src(%dma_wait3A_90 : memref<64x128xf32, #tpu.memory_space<vmem>>) dst(%dma_wait3A_87 : memref<64x128xf32, #tpu.memory_space<vmem_shared>>)
      tpu.yield
    }) : () -> ()
    %scan3A_10 = arith.constant 0 : i32
    %scan3A_11 = arith.constant 0 : i32
    %scan3A_12 = arith.constant 64 : i32
    %scan3A_13 = arith.addi %scan3A_11, %scan3A_12 : i32
    %scan3A_14 = arith.constant 1 : i32
    scf.for %scan3A_71 = %scan3A_11 to %scan3A_13 step %scan3A_14  : i32 {
      %broadcast_in_dim3A_72 = arith.constant 0.000000e+00 : f32
      %broadcast_in_dim3A_73 = vector.broadcast %broadcast_in_dim3A_72 : f32 to vector<16xf32>
      %mul3A_74 = arith.constant 16 : i32
      %mul3A_75 = arith.muli %scan3A_71, %mul3A_74 : i32
      %multiple_of3A = tpu.assume_multiple %mul3A_75, 16 : i32
      %swap3A = arith.index_cast %multiple_of3A : i32 to index
      %swap3A_76 = tpu.vector_load %arg11[%swap3A] {strides = array<i32>} : memref<1024xf32, #tpu.memory_space<vmem>>, vector<16xf32>,
      tpu.vector_store %arg11[%swap3A], %broadcast_in_dim3A_73 {strides = array<i32>} : memref<1024xf32, #tpu.memory_space<vmem>>, vector<16xf32>,
    }
    %scan3A_15 = arith.constant 64 : i32
    %barrier3A = arith.constant 0 : index
    tpu.barrier barrier_id(%barrier3A)
    %broadcast_in_dim3A = arith.constant 1.000000e+00 : f32
    %broadcast_in_dim3A_16 = vector.broadcast %broadcast_in_dim3A : f32 to vector<16xf32>
    %dma_start3A = arith.constant 0 : i32
    %dma_start3A_17 = arith.constant 0 : i32
    %dma_start3A_18 = tpu.memref_slice %arg7[%dma_start3A, %dma_start3A_17] : memref<40x128xi32, #tpu.memory_space<vmem>> -> memref<1x128xi32, #tpu.memory_space<vmem>>
    %dma_start3A_19 = tpu.memref_squeeze %dma_start3A_18 : memref<1x128xi32, #tpu.memory_space<vmem>> -> memref<128xi32, #tpu.memory_space<vmem>>
    %dma_start3A_20 = arith.constant 0 : i32
    %dma_start3A_21 = arith.constant 0 : i32
    %dma_start3A_22 = tpu.memref_slice %arg2[%dma_start3A_20, %dma_start3A_21] : memref<5000x128xf32, #tpu.memory_space<hbm>> -> memref<5000x128xf32, #tpu.memory_space<hbm>>
    tpu.enqueue_indirect_dma source(%dma_start3A_22 : memref<5000x128xf32, #tpu.memory_space<hbm>>) target(%arg9 : memref<128x128xf32, #tpu.memory_space<vmem>>) offsets(%dma_start3A_19 : memref<128xi32, #tpu.memory_space<vmem>>) semaphore(%arg13 : memref<!tpu.dma_semaphore, #tpu.memory_space<semaphore_mem>>)
    %get3A = arith.constant 0 : i32
    %get3A_23 = arith.index_cast %get3A : i32 to index
    %get3A_24 = arith.constant 0 : index
    %get3A_25 = tpu.vector_load %arg8[%get3A_23, %get3A_24] {strides = array<i32>} : memref<40x128xi32, #tpu.memory_space<vmem>>, vector<16xi32>,
    tpu.vector_store_idx %arg11[%get3A_25], %broadcast_in_dim3A_16 {add = true} : memref<1024xf32, #tpu.memory_space<vmem>>[vector<16xi32>], vector<16xf32>,
    %get3A_26 = arith.constant 0 : i32
    %get3A_27 = arith.index_cast %get3A_26 : i32 to index
    %get3A_28 = arith.constant 16 : index
    %get3A_29 = tpu.vector_load %arg8[%get3A_27, %get3A_28] {strides = array<i32>} : memref<40x128xi32, #tpu.memory_space<vmem>>, vector<16xi32>,
    tpu.vector_store_idx %arg11[%get3A_29], %broadcast_in_dim3A_16 {add = true} : memref<1024xf32, #tpu.memory_space<vmem>>[vector<16xi32>], vector<16xf32>,
    %get3A_30 = arith.constant 0 : i32
    %get3A_31 = arith.index_cast %get3A_30 : i32 to index
    %get3A_32 = arith.constant 32 : index
    %get3A_33 = tpu.vector_load %arg8[%get3A_31, %get3A_32] {strides = array<i32>} : memref<40x128xi32, #tpu.memory_space<vmem>>, vector<16xi32>,
    tpu.vector_store_idx %arg11[%get3A_33], %broadcast_in_dim3A_16 {add = true} : memref<1024xf32, #tpu.memory_space<vmem>>[vector<16xi32>], vector<16xf32>,
    %get3A_34 = arith.constant 0 : i32
    %get3A_35 = arith.index_cast %get3A_34 : i32 to index
    %get3A_36 = arith.constant 48 : index
    %get3A_37 = tpu.vector_load %arg8[%get3A_35, %get3A_36] {strides = array<i32>} : memref<40x128xi32, #tpu.memory_space<vmem>>, vector<16xi32>,
    tpu.vector_store_idx %arg11[%get3A_37], %broadcast_in_dim3A_16 {add = true} : memref<1024xf32, #tpu.memory_space<vmem>>[vector<16xi32>], vector<16xf32>,
    %get3A_38 = arith.constant 0 : i32
    %get3A_39 = arith.index_cast %get3A_38 : i32 to index
    %get3A_40 = arith.constant 64 : index
    %get3A_41 = tpu.vector_load %arg8[%get3A_39, %get3A_40] {strides = array<i32>} : memref<40x128xi32, #tpu.memory_space<vmem>>, vector<16xi32>,
    tpu.vector_store_idx %arg11[%get3A_41], %broadcast_in_dim3A_16 {add = true} : memref<1024xf32, #tpu.memory_space<vmem>>[vector<16xi32>], vector<16xf32>,
    %get3A_42 = arith.constant 0 : i32
    %get3A_43 = arith.index_cast %get3A_42 : i32 to index
    %get3A_44 = arith.constant 80 : index
    %get3A_45 = tpu.vector_load %arg8[%get3A_43, %get3A_44] {strides = array<i32>} : memref<40x128xi32, #tpu.memory_space<vmem>>, vector<16xi32>,
    tpu.vector_store_idx %arg11[%get3A_45], %broadcast_in_dim3A_16 {add = true} : memref<1024xf32, #tpu.memory_space<vmem>>[vector<16xi32>], vector<16xf32>,
    %get3A_46 = arith.constant 0 : i32
    %get3A_47 = arith.index_cast %get3A_46 : i32 to index
    %get3A_48 = arith.constant 96 : index
    %get3A_49 = tpu.vector_load %arg8[%get3A_47, %get3A_48] {strides = array<i32>} : memref<40x128xi32, #tpu.memory_space<vmem>>, vector<16xi32>,
    tpu.vector_store_idx %arg11[%get3A_49], %broadcast_in_dim3A_16 {add = true} : memref<1024xf32, #tpu.memory_space<vmem>>[vector<16xi32>], vector<16xf32>,
    %get3A_50 = arith.constant 0 : i32
    %get3A_51 = arith.index_cast %get3A_50 : i32 to index
    %get3A_52 = arith.constant 112 : index
    %get3A_53 = tpu.vector_load %arg8[%get3A_51, %get3A_52] {strides = array<i32>} : memref<40x128xi32, #tpu.memory_space<vmem>>, vector<16xi32>,
    tpu.vector_store_idx %arg11[%get3A_53], %broadcast_in_dim3A_16 {add = true} : memref<1024xf32, #tpu.memory_space<vmem>>[vector<16xi32>], vector<16xf32>,
    %scan3A_54 = arith.constant 0 : i32
    %scan3A_55 = arith.constant 0 : i32
    %scan3A_56 = arith.constant 20 : i32
    %scan3A_57 = arith.addi %scan3A_55, %scan3A_56 : i32
    %scan3A_58 = arith.constant 1 : i32
    scf.for %scan3A_71 = %scan3A_55 to %scan3A_57 step %scan3A_58  : i32 {
      %mul3A_72 = arith.constant 2 : i32
      %mul3A_73 = arith.muli %mul3A_72, %scan3A_71 : i32
      %dma_wait3A_74 = arith.constant 0 : i32
      %dma_wait3A_75 = arith.constant 0 : i32
      %dma_wait3A_76 = tpu.memref_slice %arg7[%dma_wait3A_74, %dma_wait3A_75] : memref<40x128xi32, #tpu.memory_space<vmem>> -> memref<1x128xi32, #tpu.memory_space<vmem>>
      %dma_wait3A_77 = tpu.memref_squeeze %dma_wait3A_76 : memref<1x128xi32, #tpu.memory_space<vmem>> -> memref<128xi32, #tpu.memory_space<vmem>>
      %dma_wait3A_78 = arith.constant 0 : i32
      %dma_wait3A_79 = arith.constant 0 : i32
      %dma_wait3A_80 = tpu.memref_slice %arg2[%dma_wait3A_78, %dma_wait3A_79] : memref<5000x128xf32, #tpu.memory_space<hbm>> -> memref<5000x128xf32, #tpu.memory_space<hbm>>
      tpu.wait_indirect_dma semaphore(%arg13 : memref<!tpu.dma_semaphore, #tpu.memory_space<semaphore_mem>>) src(%dma_wait3A_80 : memref<5000x128xf32, #tpu.memory_space<hbm>>) dst(%arg9 : memref<128x128xf32, #tpu.memory_space<vmem>>)
      %add3A_81 = arith.constant 1 : i32
      %add3A_82 = arith.addi %mul3A_73, %add3A_81 : i32
      %dma_start3A_83 = arith.constant 0 : i32
      %dma_start3A_84 = tpu.memref_slice %arg7[%add3A_82, %dma_start3A_83] : memref<40x128xi32, #tpu.memory_space<vmem>> -> memref<1x128xi32, #tpu.memory_space<vmem>>
      %dma_start3A_85 = tpu.memref_squeeze %dma_start3A_84 : memref<1x128xi32, #tpu.memory_space<vmem>> -> memref<128xi32, #tpu.memory_space<vmem>>
      %dma_start3A_86 = arith.constant 0 : i32
      %dma_start3A_87 = arith.constant 0 : i32
      %dma_start3A_88 = tpu.memref_slice %arg2[%dma_start3A_86, %dma_start3A_87] : memref<5000x128xf32, #tpu.memory_space<hbm>> -> memref<5000x128xf32, #tpu.memory_space<hbm>>
      tpu.enqueue_indirect_dma source(%dma_start3A_88 : memref<5000x128xf32, #tpu.memory_space<hbm>>) target(%arg10 : memref<128x128xf32, #tpu.memory_space<vmem>>) offsets(%dma_start3A_85 : memref<128xi32, #tpu.memory_space<vmem>>) semaphore(%arg14 : memref<!tpu.dma_semaphore, #tpu.memory_space<semaphore_mem>>)
      %add3A_89 = arith.constant 1 : i32
      %add3A_90 = arith.addi %mul3A_73, %add3A_89 : i32
      %get3A_91 = arith.index_cast %add3A_90 : i32 to index
      %get3A_92 = arith.constant 0 : index
      %get3A_93 = tpu.vector_load %arg8[%get3A_91, %get3A_92] {strides = array<i32>} : memref<40x128xi32, #tpu.memory_space<vmem>>, vector<16xi32>,
      tpu.vector_store_idx %arg11[%get3A_93], %broadcast_in_dim3A_16 {add = true} : memref<1024xf32, #tpu.memory_space<vmem>>[vector<16xi32>], vector<16xf32>,
      %get3A_94 = arith.index_cast %add3A_90 : i32 to index
      %get3A_95 = arith.constant 16 : index
      %get3A_96 = tpu.vector_load %arg8[%get3A_94, %get3A_95] {strides = array<i32>} : memref<40x128xi32, #tpu.memory_space<vmem>>, vector<16xi32>,
      tpu.vector_store_idx %arg11[%get3A_96], %broadcast_in_dim3A_16 {add = true} : memref<1024xf32, #tpu.memory_space<vmem>>[vector<16xi32>], vector<16xf32>,
      %get3A_97 = arith.index_cast %add3A_90 : i32 to index
      %get3A_98 = arith.constant 32 : index
      %get3A_99 = tpu.vector_load %arg8[%get3A_97, %get3A_98] {strides = array<i32>} : memref<40x128xi32, #tpu.memory_space<vmem>>, vector<16xi32>,
      tpu.vector_store_idx %arg11[%get3A_99], %broadcast_in_dim3A_16 {add = true} : memref<1024xf32, #tpu.memory_space<vmem>>[vector<16xi32>], vector<16xf32>,
      %get3A_100 = arith.index_cast %add3A_90 : i32 to index
      %get3A_101 = arith.constant 48 : index
      %get3A_102 = tpu.vector_load %arg8[%get3A_100, %get3A_101] {strides = array<i32>} : memref<40x128xi32, #tpu.memory_space<vmem>>, vector<16xi32>,
      tpu.vector_store_idx %arg11[%get3A_102], %broadcast_in_dim3A_16 {add = true} : memref<1024xf32, #tpu.memory_space<vmem>>[vector<16xi32>], vector<16xf32>,
      %get3A_103 = arith.index_cast %add3A_90 : i32 to index
      %get3A_104 = arith.constant 64 : index
      %get3A_105 = tpu.vector_load %arg8[%get3A_103, %get3A_104] {strides = array<i32>} : memref<40x128xi32, #tpu.memory_space<vmem>>, vector<16xi32>,
      tpu.vector_store_idx %arg11[%get3A_105], %broadcast_in_dim3A_16 {add = true} : memref<1024xf32, #tpu.memory_space<vmem>>[vector<16xi32>], vector<16xf32>,
      %get3A_106 = arith.index_cast %add3A_90 : i32 to index
      %get3A_107 = arith.constant 80 : index
      %get3A_108 = tpu.vector_load %arg8[%get3A_106, %get3A_107] {strides = array<i32>} : memref<40x128xi32, #tpu.memory_space<vmem>>, vector<16xi32>,
      tpu.vector_store_idx %arg11[%get3A_108], %broadcast_in_dim3A_16 {add = true} : memref<1024xf32, #tpu.memory_space<vmem>>[vector<16xi32>], vector<16xf32>,
      %get3A_109 = arith.index_cast %add3A_90 : i32 to index
      %get3A_110 = arith.constant 96 : index
      %get3A_111 = tpu.vector_load %arg8[%get3A_109, %get3A_110] {strides = array<i32>} : memref<40x128xi32, #tpu.memory_space<vmem>>, vector<16xi32>,
      tpu.vector_store_idx %arg11[%get3A_111], %broadcast_in_dim3A_16 {add = true} : memref<1024xf32, #tpu.memory_space<vmem>>[vector<16xi32>], vector<16xf32>,
      %get3A_112 = arith.index_cast %add3A_90 : i32 to index
      %get3A_113 = arith.constant 112 : index
      %get3A_114 = tpu.vector_load %arg8[%get3A_112, %get3A_113] {strides = array<i32>} : memref<40x128xi32, #tpu.memory_space<vmem>>, vector<16xi32>,
      tpu.vector_store_idx %arg11[%get3A_114], %broadcast_in_dim3A_16 {add = true} : memref<1024xf32, #tpu.memory_space<vmem>>[vector<16xi32>], vector<16xf32>,
      "tpu.region"() ({
        %run_scoped3A = tpu.sem_alloc : memref<!tpu.dma_semaphore, #tpu.memory_space<semaphore_mem>>
        %dma_start3A_137 = arith.constant 0 : i32
        %dma_start3A_138 = tpu.memref_slice %arg8[%mul3A_73, %dma_start3A_137] : memref<40x128xi32, #tpu.memory_space<vmem>> -> memref<1x128xi32, #tpu.memory_space<vmem>>
        %dma_start3A_139 = tpu.memref_squeeze %dma_start3A_138 : memref<1x128xi32, #tpu.memory_space<vmem>> -> memref<128xi32, #tpu.memory_space<vmem>>
        %dma_start3A_140 = arith.constant 0 : i32
        %dma_start3A_141 = arith.constant 0 : i32
        %dma_start3A_142 = tpu.memref_slice %arg12[%dma_start3A_140, %dma_start3A_141] : memref<1024x128xf32, #tpu.memory_space<vmem_shared>> -> memref<1024x128xf32, #tpu.memory_space<vmem_shared>>
        tpu.enqueue_indirect_dma source(%arg9 : memref<128x128xf32, #tpu.memory_space<vmem>>) target(%dma_start3A_142 : memref<1024x128xf32, #tpu.memory_space<vmem_shared>>) offsets(%dma_start3A_139 : memref<128xi32, #tpu.memory_space<vmem>>) semaphore(%run_scoped3A : memref<!tpu.dma_semaphore, #tpu.memory_space<semaphore_mem>>) {add = true}
        %dma_wait3A_143 = arith.constant 0 : i32
        %dma_wait3A_144 = tpu.memref_slice %arg8[%mul3A_73, %dma_wait3A_143] : memref<40x128xi32, #tpu.memory_space<vmem>> -> memref<1x128xi32, #tpu.memory_space<vmem>>
        %dma_wait3A_145 = tpu.memref_squeeze %dma_wait3A_144 : memref<1x128xi32, #tpu.memory_space<vmem>> -> memref<128xi32, #tpu.memory_space<vmem>>
        %dma_wait3A_146 = arith.constant 0 : i32
        %dma_wait3A_147 = arith.constant 0 : i32
        %dma_wait3A_148 = tpu.memref_slice %arg12[%dma_wait3A_146, %dma_wait3A_147] : memref<1024x128xf32, #tpu.memory_space<vmem_shared>> -> memref<1024x128xf32, #tpu.memory_space<vmem_shared>>
        tpu.wait_indirect_dma semaphore(%run_scoped3A : memref<!tpu.dma_semaphore, #tpu.memory_space<semaphore_mem>>) src(%arg9 : memref<128x128xf32, #tpu.memory_space<vmem>>) dst(%dma_wait3A_148 : memref<1024x128xf32, #tpu.memory_space<vmem_shared>>)
        tpu.yield
      }) : () -> ()
      %dma_wait3A_115 = arith.constant 0 : i32
      %dma_wait3A_116 = arith.constant 0 : i32
      %dma_wait3A_117 = tpu.memref_slice %arg7[%dma_wait3A_115, %dma_wait3A_116] : memref<40x128xi32, #tpu.memory_space<vmem>> -> memref<1x128xi32, #tpu.memory_space<vmem>>
      %dma_wait3A_118 = tpu.memref_squeeze %dma_wait3A_117 : memref<1x128xi32, #tpu.memory_space<vmem>> -> memref<128xi32, #tpu.memory_space<vmem>>
      %dma_wait3A_119 = arith.constant 0 : i32
      %dma_wait3A_120 = arith.constant 0 : i32
      %dma_wait3A_121 = tpu.memref_slice %arg2[%dma_wait3A_119, %dma_wait3A_120] : memref<5000x128xf32, #tpu.memory_space<hbm>> -> memref<5000x128xf32, #tpu.memory_space<hbm>>
      tpu.wait_indirect_dma semaphore(%arg14 : memref<!tpu.dma_semaphore, #tpu.memory_space<semaphore_mem>>) src(%dma_wait3A_121 : memref<5000x128xf32, #tpu.memory_space<hbm>>) dst(%arg10 : memref<128x128xf32, #tpu.memory_space<vmem>>)
      %add3A_122 = arith.constant 2 : i32
      %add3A_123 = arith.addi %mul3A_73, %add3A_122 : i32
      %min3A = arith.constant 39 : i32
      %min3A_124 = arith.minsi %add3A_123, %min3A : i32
      %dma_start3A_125 = arith.constant 0 : i32
      %dma_start3A_126 = tpu.memref_slice %arg7[%min3A_124, %dma_start3A_125] : memref<40x128xi32, #tpu.memory_space<vmem>> -> memref<1x128xi32, #tpu.memory_space<vmem>>
      %dma_start3A_127 = tpu.memref_squeeze %dma_start3A_126 : memref<1x128xi32, #tpu.memory_space<vmem>> -> memref<128xi32, #tpu.memory_space<vmem>>
      %dma_start3A_128 = arith.constant 0 : i32
      %dma_start3A_129 = arith.constant 0 : i32
      %dma_start3A_130 = tpu.memref_slice %arg2[%dma_start3A_128, %dma_start3A_129] : memref<5000x128xf32, #tpu.memory_space<hbm>> -> memref<5000x128xf32, #tpu.memory_space<hbm>>
      tpu.enqueue_indirect_dma source(%dma_start3A_130 : memref<5000x128xf32, #tpu.memory_space<hbm>>) target(%arg9 : memref<128x128xf32, #tpu.memory_space<vmem>>) offsets(%dma_start3A_127 : memref<128xi32, #tpu.memory_space<vmem>>) semaphore(%arg13 : memref<!tpu.dma_semaphore, #tpu.memory_space<semaphore_mem>>)
      %add3A_131 = arith.constant 1 : i32
      %add3A_132 = arith.addi %scan3A_71, %add3A_131 : i32
      %lt3A = arith.constant 20 : i32
      %lt3A_133 = arith.cmpi slt, %add3A_132, %lt3A : i32
      %convert_element_type3A = arith.extui %lt3A_133 : i1 to i32
      %cond3A = arith.constant 0 : i32
      %cond3A_134 = arith.cmpi ne, %convert_element_type3A, %cond3A : i32
      scf.if %cond3A_134 {
        %add3A_137 = arith.constant 2 : i32
        %add3A_138 = arith.addi %mul3A_73, %add3A_137 : i32
        %get3A_139 = arith.index_cast %add3A_138 : i32 to index
        %get3A_140 = arith.constant 0 : index
        %get3A_141 = tpu.vector_load %arg8[%get3A_139, %get3A_140] {strides = array<i32>} : memref<40x128xi32, #tpu.memory_space<vmem>>, vector<16xi32>,
        tpu.vector_store_idx %arg11[%get3A_141], %broadcast_in_dim3A_16 {add = true} : memref<1024xf32, #tpu.memory_space<vmem>>[vector<16xi32>], vector<16xf32>,
        %get3A_142 = arith.index_cast %add3A_138 : i32 to index
        %get3A_143 = arith.constant 16 : index
        %get3A_144 = tpu.vector_load %arg8[%get3A_142, %get3A_143] {strides = array<i32>} : memref<40x128xi32, #tpu.memory_space<vmem>>, vector<16xi32>,
        tpu.vector_store_idx %arg11[%get3A_144], %broadcast_in_dim3A_16 {add = true} : memref<1024xf32, #tpu.memory_space<vmem>>[vector<16xi32>], vector<16xf32>,
        %get3A_145 = arith.index_cast %add3A_138 : i32 to index
        %get3A_146 = arith.constant 32 : index
        %get3A_147 = tpu.vector_load %arg8[%get3A_145, %get3A_146] {strides = array<i32>} : memref<40x128xi32, #tpu.memory_space<vmem>>, vector<16xi32>,
        tpu.vector_store_idx %arg11[%get3A_147], %broadcast_in_dim3A_16 {add = true} : memref<1024xf32, #tpu.memory_space<vmem>>[vector<16xi32>], vector<16xf32>,
        %get3A_148 = arith.index_cast %add3A_138 : i32 to index
        %get3A_149 = arith.constant 48 : index
        %get3A_150 = tpu.vector_load %arg8[%get3A_148, %get3A_149] {strides = array<i32>} : memref<40x128xi32, #tpu.memory_space<vmem>>, vector<16xi32>,
        tpu.vector_store_idx %arg11[%get3A_150], %broadcast_in_dim3A_16 {add = true} : memref<1024xf32, #tpu.memory_space<vmem>>[vector<16xi32>], vector<16xf32>,
        %get3A_151 = arith.index_cast %add3A_138 : i32 to index
        %get3A_152 = arith.constant 64 : index
        %get3A_153 = tpu.vector_load %arg8[%get3A_151, %get3A_152] {strides = array<i32>} : memref<40x128xi32, #tpu.memory_space<vmem>>, vector<16xi32>,
        tpu.vector_store_idx %arg11[%get3A_153], %broadcast_in_dim3A_16 {add = true} : memref<1024xf32, #tpu.memory_space<vmem>>[vector<16xi32>], vector<16xf32>,
        %get3A_154 = arith.index_cast %add3A_138 : i32 to index
        %get3A_155 = arith.constant 80 : index
        %get3A_156 = tpu.vector_load %arg8[%get3A_154, %get3A_155] {strides = array<i32>} : memref<40x128xi32, #tpu.memory_space<vmem>>, vector<16xi32>,
        tpu.vector_store_idx %arg11[%get3A_156], %broadcast_in_dim3A_16 {add = true} : memref<1024xf32, #tpu.memory_space<vmem>>[vector<16xi32>], vector<16xf32>,
        %get3A_157 = arith.index_cast %add3A_138 : i32 to index
        %get3A_158 = arith.constant 96 : index
        %get3A_159 = tpu.vector_load %arg8[%get3A_157, %get3A_158] {strides = array<i32>} : memref<40x128xi32, #tpu.memory_space<vmem>>, vector<16xi32>,
        tpu.vector_store_idx %arg11[%get3A_159], %broadcast_in_dim3A_16 {add = true} : memref<1024xf32, #tpu.memory_space<vmem>>[vector<16xi32>], vector<16xf32>,
        %get3A_160 = arith.index_cast %add3A_138 : i32 to index
        %get3A_161 = arith.constant 112 : index
        %get3A_162 = tpu.vector_load %arg8[%get3A_160, %get3A_161] {strides = array<i32>} : memref<40x128xi32, #tpu.memory_space<vmem>>, vector<16xi32>,
        tpu.vector_store_idx %arg11[%get3A_162], %broadcast_in_dim3A_16 {add = true} : memref<1024xf32, #tpu.memory_space<vmem>>[vector<16xi32>], vector<16xf32>,
      } else {
      }
      %add3A_135 = arith.constant 1 : i32
      %add3A_136 = arith.addi %mul3A_73, %add3A_135 : i32
      "tpu.region"() ({
        %run_scoped3A = tpu.sem_alloc : memref<!tpu.dma_semaphore, #tpu.memory_space<semaphore_mem>>
        %dma_start3A_137 = arith.constant 0 : i32
        %dma_start3A_138 = tpu.memref_slice %arg8[%add3A_136, %dma_start3A_137] : memref<40x128xi32, #tpu.memory_space<vmem>> -> memref<1x128xi32, #tpu.memory_space<vmem>>
        %dma_start3A_139 = tpu.memref_squeeze %dma_start3A_138 : memref<1x128xi32, #tpu.memory_space<vmem>> -> memref<128xi32, #tpu.memory_space<vmem>>
        %dma_start3A_140 = arith.constant 0 : i32
        %dma_start3A_141 = arith.constant 0 : i32
        %dma_start3A_142 = tpu.memref_slice %arg12[%dma_start3A_140, %dma_start3A_141] : memref<1024x128xf32, #tpu.memory_space<vmem_shared>> -> memref<1024x128xf32, #tpu.memory_space<vmem_shared>>
        tpu.enqueue_indirect_dma source(%arg10 : memref<128x128xf32, #tpu.memory_space<vmem>>) target(%dma_start3A_142 : memref<1024x128xf32, #tpu.memory_space<vmem_shared>>) offsets(%dma_start3A_139 : memref<128xi32, #tpu.memory_space<vmem>>) semaphore(%run_scoped3A : memref<!tpu.dma_semaphore, #tpu.memory_space<semaphore_mem>>) {add = true}
        %dma_wait3A_143 = arith.constant 0 : i32
        %dma_wait3A_144 = tpu.memref_slice %arg8[%add3A_136, %dma_wait3A_143] : memref<40x128xi32, #tpu.memory_space<vmem>> -> memref<1x128xi32, #tpu.memory_space<vmem>>
        %dma_wait3A_145 = tpu.memref_squeeze %dma_wait3A_144 : memref<1x128xi32, #tpu.memory_space<vmem>> -> memref<128xi32, #tpu.memory_space<vmem>>
        %dma_wait3A_146 = arith.constant 0 : i32
        %dma_wait3A_147 = arith.constant 0 : i32
        %dma_wait3A_148 = tpu.memref_slice %arg12[%dma_wait3A_146, %dma_wait3A_147] : memref<1024x128xf32, #tpu.memory_space<vmem_shared>> -> memref<1024x128xf32, #tpu.memory_space<vmem_shared>>
        tpu.wait_indirect_dma semaphore(%run_scoped3A : memref<!tpu.dma_semaphore, #tpu.memory_space<semaphore_mem>>) src(%arg10 : memref<128x128xf32, #tpu.memory_space<vmem>>) dst(%dma_wait3A_148 : memref<1024x128xf32, #tpu.memory_space<vmem_shared>>)
        tpu.yield
      }) : () -> ()
    }
    %scan3A_59 = arith.constant 20 : i32
    %dma_wait3A = arith.constant 0 : i32
    %dma_wait3A_60 = arith.constant 0 : i32
    %dma_wait3A_61 = tpu.memref_slice %arg7[%dma_wait3A, %dma_wait3A_60] : memref<40x128xi32, #tpu.memory_space<vmem>> -> memref<1x128xi32, #tpu.memory_space<vmem>>
    %dma_wait3A_62 = tpu.memref_squeeze %dma_wait3A_61 : memref<1x128xi32, #tpu.memory_space<vmem>> -> memref<128xi32, #tpu.memory_space<vmem>>
    %dma_wait3A_63 = arith.constant 0 : i32
    %dma_wait3A_64 = arith.constant 0 : i32
    %dma_wait3A_65 = tpu.memref_slice %arg2[%dma_wait3A_63, %dma_wait3A_64] : memref<5000x128xf32, #tpu.memory_space<hbm>> -> memref<5000x128xf32, #tpu.memory_space<hbm>>
    tpu.wait_indirect_dma semaphore(%arg13 : memref<!tpu.dma_semaphore, #tpu.memory_space<semaphore_mem>>) src(%dma_wait3A_65 : memref<5000x128xf32, #tpu.memory_space<hbm>>) dst(%arg9 : memref<128x128xf32, #tpu.memory_space<vmem>>)
    "tpu.region"() ({
      %run_scoped3A = tpu.sem_alloc : memref<!tpu.dma_semaphore, #tpu.memory_space<semaphore_mem>>
      %dma_start3A_71 = arith.constant 0 : i32
      %dma_start3A_72 = tpu.memref_slice %arg6[%add3A, %dma_start3A_71] : memref<32x1024xf32, #tpu.memory_space<hbm>> -> memref<1x1024xf32, #tpu.memory_space<hbm>>
      %dma_start3A_73 = tpu.memref_squeeze %dma_start3A_72 : memref<1x1024xf32, #tpu.memory_space<hbm>> -> memref<1024xf32, #tpu.memory_space<hbm>>
      %dma_start3A_74 = arith.constant 0 : i32
      %dma_start3A_75 = tpu.memref_slice %arg6[%add3A, %dma_start3A_74] : memref<32x1024xf32, #tpu.memory_space<hbm>> -> memref<1x1024xf32, #tpu.memory_space<hbm>>
      %dma_start3A_76 = tpu.memref_squeeze %dma_start3A_75 : memref<1x1024xf32, #tpu.memory_space<hbm>> -> memref<1024xf32, #tpu.memory_space<hbm>>
      tpu.enqueue_dma source(%arg11 : memref<1024xf32, #tpu.memory_space<vmem>>) target(%dma_start3A_76 : memref<1024xf32, #tpu.memory_space<hbm>>) target_semaphore(%run_scoped3A : memref<!tpu.dma_semaphore, #tpu.memory_space<semaphore_mem>>)
      %dma_wait3A_77 = arith.constant 0 : i32
      %dma_wait3A_78 = tpu.memref_slice %arg6[%add3A, %dma_wait3A_77] : memref<32x1024xf32, #tpu.memory_space<hbm>> -> memref<1x1024xf32, #tpu.memory_space<hbm>>
      %dma_wait3A_79 = tpu.memref_squeeze %dma_wait3A_78 : memref<1x1024xf32, #tpu.memory_space<hbm>> -> memref<1024xf32, #tpu.memory_space<hbm>>
      %dma_wait3A_80 = arith.constant 0 : i32
      %dma_wait3A_81 = tpu.memref_slice %arg6[%add3A, %dma_wait3A_80] : memref<32x1024xf32, #tpu.memory_space<hbm>> -> memref<1x1024xf32, #tpu.memory_space<hbm>>
      %dma_wait3A_82 = tpu.memref_squeeze %dma_wait3A_81 : memref<1x1024xf32, #tpu.memory_space<hbm>> -> memref<1024xf32, #tpu.memory_space<hbm>>
      tpu.wait_dma2 semaphore(%run_scoped3A : memref<!tpu.dma_semaphore, #tpu.memory_space<semaphore_mem>>) src(%arg11 : memref<1024xf32, #tpu.memory_space<vmem>>) dst(%dma_wait3A_82 : memref<1024xf32, #tpu.memory_space<hbm>>)
      tpu.yield
    }) : () -> ()
    %barrier3A_66 = arith.constant 0 : index
    tpu.barrier barrier_id(%barrier3A_66)
    %mul3A_67 = arith.constant 64 : i32
    %mul3A_68 = arith.muli %arg1, %mul3A_67 : i32
    %mul3A_69 = arith.constant 64 : i32
    %mul3A_70 = arith.muli %arg1, %mul3A_69 : i32
    "tpu.region"() ({
      %run_scoped3A = tpu.sem_alloc : memref<!tpu.dma_semaphore, #tpu.memory_space<semaphore_mem>>
      %dma_start3A_71 = arith.constant 0 : i32
      %dma_start3A_72 = tpu.memref_slice %arg5[%arg0, %mul3A_70, %dma_start3A_71] : memref<2x1024x128xf32, #tpu.memory_space<hbm>> -> memref<1x64x128xf32, #tpu.memory_space<hbm>>
      %dma_start3A_73 = tpu.memref_squeeze %dma_start3A_72 : memref<1x64x128xf32, #tpu.memory_space<hbm>> -> memref<64x128xf32, #tpu.memory_space<hbm>>
      %dma_start3A_74 = arith.constant 0 : i32
      %dma_start3A_75 = tpu.memref_slice %arg12[%mul3A_68, %dma_start3A_74] : memref<1024x128xf32, #tpu.memory_space<vmem_shared>> -> memref<64x128xf32, #tpu.memory_space<vmem_shared>>
      tpu.enqueue_dma source(%dma_start3A_75 : memref<64x128xf32, #tpu.memory_space<vmem_shared>>) target(%dma_start3A_73 : memref<64x128xf32, #tpu.memory_space<hbm>>) target_semaphore(%run_scoped3A : memref<!tpu.dma_semaphore, #tpu.memory_space<semaphore_mem>>)
      %dma_wait3A_76 = arith.constant 0 : i32
      %dma_wait3A_77 = tpu.memref_slice %arg5[%arg0, %mul3A_70, %dma_wait3A_76] : memref<2x1024x128xf32, #tpu.memory_space<hbm>> -> memref<1x64x128xf32, #tpu.memory_space<hbm>>
      %dma_wait3A_78 = tpu.memref_squeeze %dma_wait3A_77 : memref<1x64x128xf32, #tpu.memory_space<hbm>> -> memref<64x128xf32, #tpu.memory_space<hbm>>
      %dma_wait3A_79 = arith.constant 0 : i32
      %dma_wait3A_80 = tpu.memref_slice %arg12[%mul3A_68, %dma_wait3A_79] : memref<1024x128xf32, #tpu.memory_space<vmem_shared>> -> memref<64x128xf32, #tpu.memory_space<vmem_shared>>
      tpu.wait_dma2 semaphore(%run_scoped3A : memref<!tpu.dma_semaphore, #tpu.memory_space<semaphore_mem>>) src(%dma_wait3A_80 : memref<64x128xf32, #tpu.memory_space<vmem_shared>>) dst(%dma_wait3A_78 : memref<64x128xf32, #tpu.memory_space<hbm>>)
      tpu.yield
    }) : () -> ()
    return
  }
}

#map = affine_map<(d0, d1) -> (0, 0)>
#map1 = affine_map<(d0, d1) -> (0, 0, 0)>
module attributes {stable_mosaic.version = 14 : i64} {
  func.func @k(%arg0: i32, %arg1: i32, %arg2: memref<10000x128xf32, #tpu.memory_space<hbm>>, %arg3: memref<32x80x128xi32, #tpu.memory_space<hbm>>, %arg4: memref<32x80x128xi32, #tpu.memory_space<hbm>>, %arg5: memref<2x5120x128xf32, #tpu.memory_space<hbm>>, %arg6: memref<32x5120xf32, #tpu.memory_space<hbm>>, %arg7: memref<80x128xi32, #tpu.memory_space<vmem>>, %arg8: memref<80x128xi32, #tpu.memory_space<vmem>>, %arg9: memref<128x128xf32, #tpu.memory_space<vmem>>, %arg10: memref<128x128xf32, #tpu.memory_space<vmem>>, %arg11: memref<5120xf32, #tpu.memory_space<vmem>>, %arg12: memref<5120x128xf32, #tpu.memory_space<vmem_shared>>, %arg13: memref<!tpu.dma_semaphore, #tpu.memory_space<semaphore_mem>>, %arg14: memref<!tpu.dma_semaphore, #tpu.memory_space<semaphore_mem>>) attributes {dimension_semantics = [#tpu.dimension_semantics<core_parallel>, #tpu.dimension_semantics<subcore_parallel>], iteration_bounds = array<i64: 2, 16>, scalar_prefetch = 0 : i64, scratch_operands = 8 : i64, tpu.core_type = #tpu.core_type<sc_vector_subcore>, window_params = [{transform_indices = #map}, {transform_indices = #map1}, {transform_indices = #map1}, {transform_indices = #map1}, {transform_indices = #map}]} {
    %mul3A = arith.constant 16 : i32
    %mul3A_0 = arith.muli %arg0, %mul3A : i32
    %add3A = arith.addi %mul3A_0, %arg1 : i32
    "tpu.region"() ({
      %run_scoped3A = tpu.sem_alloc : memref<!tpu.dma_semaphore, #tpu.memory_space<semaphore_mem>>
      %dma_start3A_79 = arith.constant 0 : i32
      %dma_start3A_80 = arith.constant 0 : i32
      %dma_start3A_81 = tpu.memref_slice %arg3[%add3A, %dma_start3A_79, %dma_start3A_80] : memref<32x80x128xi32, #tpu.memory_space<hbm>> -> memref<1x80x128xi32, #tpu.memory_space<hbm>>
      %dma_start3A_82 = tpu.memref_squeeze %dma_start3A_81 : memref<1x80x128xi32, #tpu.memory_space<hbm>> -> memref<80x128xi32, #tpu.memory_space<hbm>>
      %dma_start3A_83 = arith.constant 0 : i32
      %dma_start3A_84 = arith.constant 0 : i32
      %dma_start3A_85 = tpu.memref_slice %arg3[%add3A, %dma_start3A_83, %dma_start3A_84] : memref<32x80x128xi32, #tpu.memory_space<hbm>> -> memref<1x80x128xi32, #tpu.memory_space<hbm>>
      %dma_start3A_86 = tpu.memref_squeeze %dma_start3A_85 : memref<1x80x128xi32, #tpu.memory_space<hbm>> -> memref<80x128xi32, #tpu.memory_space<hbm>>
      tpu.enqueue_dma source(%dma_start3A_86 : memref<80x128xi32, #tpu.memory_space<hbm>>) target(%arg7 : memref<80x128xi32, #tpu.memory_space<vmem>>) target_semaphore(%run_scoped3A : memref<!tpu.dma_semaphore, #tpu.memory_space<semaphore_mem>>)
      %dma_wait3A_87 = arith.constant 0 : i32
      %dma_wait3A_88 = arith.constant 0 : i32
      %dma_wait3A_89 = tpu.memref_slice %arg3[%add3A, %dma_wait3A_87, %dma_wait3A_88] : memref<32x80x128xi32, #tpu.memory_space<hbm>> -> memref<1x80x128xi32, #tpu.memory_space<hbm>>
      %dma_wait3A_90 = tpu.memref_squeeze %dma_wait3A_89 : memref<1x80x128xi32, #tpu.memory_space<hbm>> -> memref<80x128xi32, #tpu.memory_space<hbm>>
      %dma_wait3A_91 = arith.constant 0 : i32
      %dma_wait3A_92 = arith.constant 0 : i32
      %dma_wait3A_93 = tpu.memref_slice %arg3[%add3A, %dma_wait3A_91, %dma_wait3A_92] : memref<32x80x128xi32, #tpu.memory_space<hbm>> -> memref<1x80x128xi32, #tpu.memory_space<hbm>>
      %dma_wait3A_94 = tpu.memref_squeeze %dma_wait3A_93 : memref<1x80x128xi32, #tpu.memory_space<hbm>> -> memref<80x128xi32, #tpu.memory_space<hbm>>
      tpu.wait_dma2 semaphore(%run_scoped3A : memref<!tpu.dma_semaphore, #tpu.memory_space<semaphore_mem>>) src(%dma_wait3A_94 : memref<80x128xi32, #tpu.memory_space<hbm>>) dst(%arg7 : memref<80x128xi32, #tpu.memory_space<vmem>>)
      tpu.yield
    }) : () -> ()
    "tpu.region"() ({
      %run_scoped3A = tpu.sem_alloc : memref<!tpu.dma_semaphore, #tpu.memory_space<semaphore_mem>>
      %dma_start3A_79 = arith.constant 0 : i32
      %dma_start3A_80 = arith.constant 0 : i32
      %dma_start3A_81 = tpu.memref_slice %arg4[%add3A, %dma_start3A_79, %dma_start3A_80] : memref<32x80x128xi32, #tpu.memory_space<hbm>> -> memref<1x80x128xi32, #tpu.memory_space<hbm>>
      %dma_start3A_82 = tpu.memref_squeeze %dma_start3A_81 : memref<1x80x128xi32, #tpu.memory_space<hbm>> -> memref<80x128xi32, #tpu.memory_space<hbm>>
      %dma_start3A_83 = arith.constant 0 : i32
      %dma_start3A_84 = arith.constant 0 : i32
      %dma_start3A_85 = tpu.memref_slice %arg4[%add3A, %dma_start3A_83, %dma_start3A_84] : memref<32x80x128xi32, #tpu.memory_space<hbm>> -> memref<1x80x128xi32, #tpu.memory_space<hbm>>
      %dma_start3A_86 = tpu.memref_squeeze %dma_start3A_85 : memref<1x80x128xi32, #tpu.memory_space<hbm>> -> memref<80x128xi32, #tpu.memory_space<hbm>>
      tpu.enqueue_dma source(%dma_start3A_86 : memref<80x128xi32, #tpu.memory_space<hbm>>) target(%arg8 : memref<80x128xi32, #tpu.memory_space<vmem>>) target_semaphore(%run_scoped3A : memref<!tpu.dma_semaphore, #tpu.memory_space<semaphore_mem>>)
      %dma_wait3A_87 = arith.constant 0 : i32
      %dma_wait3A_88 = arith.constant 0 : i32
      %dma_wait3A_89 = tpu.memref_slice %arg4[%add3A, %dma_wait3A_87, %dma_wait3A_88] : memref<32x80x128xi32, #tpu.memory_space<hbm>> -> memref<1x80x128xi32, #tpu.memory_space<hbm>>
      %dma_wait3A_90 = tpu.memref_squeeze %dma_wait3A_89 : memref<1x80x128xi32, #tpu.memory_space<hbm>> -> memref<80x128xi32, #tpu.memory_space<hbm>>
      %dma_wait3A_91 = arith.constant 0 : i32
      %dma_wait3A_92 = arith.constant 0 : i32
      %dma_wait3A_93 = tpu.memref_slice %arg4[%add3A, %dma_wait3A_91, %dma_wait3A_92] : memref<32x80x128xi32, #tpu.memory_space<hbm>> -> memref<1x80x128xi32, #tpu.memory_space<hbm>>
      %dma_wait3A_94 = tpu.memref_squeeze %dma_wait3A_93 : memref<1x80x128xi32, #tpu.memory_space<hbm>> -> memref<80x128xi32, #tpu.memory_space<hbm>>
      tpu.wait_dma2 semaphore(%run_scoped3A : memref<!tpu.dma_semaphore, #tpu.memory_space<semaphore_mem>>) src(%dma_wait3A_94 : memref<80x128xi32, #tpu.memory_space<hbm>>) dst(%arg8 : memref<80x128xi32, #tpu.memory_space<vmem>>)
      tpu.yield
    }) : () -> ()
    %scan3A = arith.constant 0 : i32
    %scan3A_1 = arith.constant 0 : i32
    %scan3A_2 = arith.constant 128 : i32
    %scan3A_3 = arith.addi %scan3A_1, %scan3A_2 : i32
    %scan3A_4 = arith.constant 1 : i32
    scf.for %scan3A_79 = %scan3A_1 to %scan3A_3 step %scan3A_4  : i32 {
      %broadcast_in_dim3A_80 = arith.constant 0.000000e+00 : f32
      %broadcast_in_dim3A_81 = vector.broadcast %broadcast_in_dim3A_80 : f32 to vector<16xf32>
      %swap3A = arith.index_cast %scan3A_79 : i32 to index
      %swap3A_82 = arith.constant 0 : index
      %swap3A_83 = tpu.vector_load %arg9[%swap3A, %swap3A_82] {strides = array<i32>} : memref<128x128xf32, #tpu.memory_space<vmem>>, vector<16xf32>,
      tpu.vector_store %arg9[%swap3A, %swap3A_82], %broadcast_in_dim3A_81 {strides = array<i32>} : memref<128x128xf32, #tpu.memory_space<vmem>>, vector<16xf32>,
      %broadcast_in_dim3A_84 = arith.constant 0.000000e+00 : f32
      %broadcast_in_dim3A_85 = vector.broadcast %broadcast_in_dim3A_84 : f32 to vector<16xf32>
      %swap3A_86 = arith.index_cast %scan3A_79 : i32 to index
      %swap3A_87 = arith.constant 16 : index
      %swap3A_88 = tpu.vector_load %arg9[%swap3A_86, %swap3A_87] {strides = array<i32>} : memref<128x128xf32, #tpu.memory_space<vmem>>, vector<16xf32>,
      tpu.vector_store %arg9[%swap3A_86, %swap3A_87], %broadcast_in_dim3A_85 {strides = array<i32>} : memref<128x128xf32, #tpu.memory_space<vmem>>, vector<16xf32>,
      %broadcast_in_dim3A_89 = arith.constant 0.000000e+00 : f32
      %broadcast_in_dim3A_90 = vector.broadcast %broadcast_in_dim3A_89 : f32 to vector<16xf32>
      %swap3A_91 = arith.index_cast %scan3A_79 : i32 to index
      %swap3A_92 = arith.constant 32 : index
      %swap3A_93 = tpu.vector_load %arg9[%swap3A_91, %swap3A_92] {strides = array<i32>} : memref<128x128xf32, #tpu.memory_space<vmem>>, vector<16xf32>,
      tpu.vector_store %arg9[%swap3A_91, %swap3A_92], %broadcast_in_dim3A_90 {strides = array<i32>} : memref<128x128xf32, #tpu.memory_space<vmem>>, vector<16xf32>,
      %broadcast_in_dim3A_94 = arith.constant 0.000000e+00 : f32
      %broadcast_in_dim3A_95 = vector.broadcast %broadcast_in_dim3A_94 : f32 to vector<16xf32>
      %swap3A_96 = arith.index_cast %scan3A_79 : i32 to index
      %swap3A_97 = arith.constant 48 : index
      %swap3A_98 = tpu.vector_load %arg9[%swap3A_96, %swap3A_97] {strides = array<i32>} : memref<128x128xf32, #tpu.memory_space<vmem>>, vector<16xf32>,
      tpu.vector_store %arg9[%swap3A_96, %swap3A_97], %broadcast_in_dim3A_95 {strides = array<i32>} : memref<128x128xf32, #tpu.memory_space<vmem>>, vector<16xf32>,
      %broadcast_in_dim3A_99 = arith.constant 0.000000e+00 : f32
      %broadcast_in_dim3A_100 = vector.broadcast %broadcast_in_dim3A_99 : f32 to vector<16xf32>
      %swap3A_101 = arith.index_cast %scan3A_79 : i32 to index
      %swap3A_102 = arith.constant 64 : index
      %swap3A_103 = tpu.vector_load %arg9[%swap3A_101, %swap3A_102] {strides = array<i32>} : memref<128x128xf32, #tpu.memory_space<vmem>>, vector<16xf32>,
      tpu.vector_store %arg9[%swap3A_101, %swap3A_102], %broadcast_in_dim3A_100 {strides = array<i32>} : memref<128x128xf32, #tpu.memory_space<vmem>>, vector<16xf32>,
      %broadcast_in_dim3A_104 = arith.constant 0.000000e+00 : f32
      %broadcast_in_dim3A_105 = vector.broadcast %broadcast_in_dim3A_104 : f32 to vector<16xf32>
      %swap3A_106 = arith.index_cast %scan3A_79 : i32 to index
      %swap3A_107 = arith.constant 80 : index
      %swap3A_108 = tpu.vector_load %arg9[%swap3A_106, %swap3A_107] {strides = array<i32>} : memref<128x128xf32, #tpu.memory_space<vmem>>, vector<16xf32>,
      tpu.vector_store %arg9[%swap3A_106, %swap3A_107], %broadcast_in_dim3A_105 {strides = array<i32>} : memref<128x128xf32, #tpu.memory_space<vmem>>, vector<16xf32>,
      %broadcast_in_dim3A_109 = arith.constant 0.000000e+00 : f32
      %broadcast_in_dim3A_110 = vector.broadcast %broadcast_in_dim3A_109 : f32 to vector<16xf32>
      %swap3A_111 = arith.index_cast %scan3A_79 : i32 to index
      %swap3A_112 = arith.constant 96 : index
      %swap3A_113 = tpu.vector_load %arg9[%swap3A_111, %swap3A_112] {strides = array<i32>} : memref<128x128xf32, #tpu.memory_space<vmem>>, vector<16xf32>,
      tpu.vector_store %arg9[%swap3A_111, %swap3A_112], %broadcast_in_dim3A_110 {strides = array<i32>} : memref<128x128xf32, #tpu.memory_space<vmem>>, vector<16xf32>,
      %broadcast_in_dim3A_114 = arith.constant 0.000000e+00 : f32
      %broadcast_in_dim3A_115 = vector.broadcast %broadcast_in_dim3A_114 : f32 to vector<16xf32>
      %swap3A_116 = arith.index_cast %scan3A_79 : i32 to index
      %swap3A_117 = arith.constant 112 : index
      %swap3A_118 = tpu.vector_load %arg9[%swap3A_116, %swap3A_117] {strides = array<i32>} : memref<128x128xf32, #tpu.memory_space<vmem>>, vector<16xf32>,
      tpu.vector_store %arg9[%swap3A_116, %swap3A_117], %broadcast_in_dim3A_115 {strides = array<i32>} : memref<128x128xf32, #tpu.memory_space<vmem>>, vector<16xf32>,
    }
    %scan3A_5 = arith.constant 128 : i32
    %mul3A_6 = arith.constant 320 : i32
    %mul3A_7 = arith.muli %arg1, %mul3A_6 : i32
    %add3A_8 = arith.constant 0 : i32
    %add3A_9 = arith.addi %mul3A_7, %add3A_8 : i32
    "tpu.region"() ({
      %run_scoped3A = tpu.sem_alloc : memref<!tpu.dma_semaphore, #tpu.memory_space<semaphore_mem>>
      %dma_start3A_79 = arith.constant 0 : i32
      %dma_start3A_80 = arith.constant 0 : i32
      %dma_start3A_81 = tpu.memref_slice %arg9[%dma_start3A_79, %dma_start3A_80] : memref<128x128xf32, #tpu.memory_space<vmem>> -> memref<128x128xf32, #tpu.memory_space<vmem>>
      %dma_start3A_82 = arith.constant 0 : i32
      %dma_start3A_83 = tpu.memref_slice %arg12[%add3A_9, %dma_start3A_82] : memref<5120x128xf32, #tpu.memory_space<vmem_shared>> -> memref<128x128xf32, #tpu.memory_space<vmem_shared>>
      %dma_start3A_84 = arith.constant 0 : i32
      %dma_start3A_85 = tpu.memref_slice %arg12[%add3A_9, %dma_start3A_84] : memref<5120x128xf32, #tpu.memory_space<vmem_shared>> -> memref<128x128xf32, #tpu.memory_space<vmem_shared>>
      %dma_start3A_86 = arith.constant 0 : i32
      %dma_start3A_87 = arith.constant 0 : i32
      %dma_start3A_88 = tpu.memref_slice %arg9[%dma_start3A_86, %dma_start3A_87] : memref<128x128xf32, #tpu.memory_space<vmem>> -> memref<128x128xf32, #tpu.memory_space<vmem>>
      tpu.enqueue_dma source(%dma_start3A_88 : memref<128x128xf32, #tpu.memory_space<vmem>>) target(%dma_start3A_85 : memref<128x128xf32, #tpu.memory_space<vmem_shared>>) target_semaphore(%run_scoped3A : memref<!tpu.dma_semaphore, #tpu.memory_space<semaphore_mem>>)
      %dma_wait3A_89 = arith.constant 0 : i32
      %dma_wait3A_90 = arith.constant 0 : i32
      %dma_wait3A_91 = tpu.memref_slice %arg9[%dma_wait3A_89, %dma_wait3A_90] : memref<128x128xf32, #tpu.memory_space<vmem>> -> memref<128x128xf32, #tpu.memory_space<vmem>>
      %dma_wait3A_92 = arith.constant 0 : i32
      %dma_wait3A_93 = tpu.memref_slice %arg12[%add3A_9, %dma_wait3A_92] : memref<5120x128xf32, #tpu.memory_space<vmem_shared>> -> memref<128x128xf32, #tpu.memory_space<vmem_shared>>
      %dma_wait3A_94 = arith.constant 0 : i32
      %dma_wait3A_95 = tpu.memref_slice %arg12[%add3A_9, %dma_wait3A_94] : memref<5120x128xf32, #tpu.memory_space<vmem_shared>> -> memref<128x128xf32, #tpu.memory_space<vmem_shared>>
      %dma_wait3A_96 = arith.constant 0 : i32
      %dma_wait3A_97 = arith.constant 0 : i32
      %dma_wait3A_98 = tpu.memref_slice %arg9[%dma_wait3A_96, %dma_wait3A_97] : memref<128x128xf32, #tpu.memory_space<vmem>> -> memref<128x128xf32, #tpu.memory_space<vmem>>
      tpu.wait_dma2 semaphore(%run_scoped3A : memref<!tpu.dma_semaphore, #tpu.memory_space<semaphore_mem>>) src(%dma_wait3A_98 : memref<128x128xf32, #tpu.memory_space<vmem>>) dst(%dma_wait3A_95 : memref<128x128xf32, #tpu.memory_space<vmem_shared>>)
      tpu.yield
    }) : () -> ()
    %mul3A_10 = arith.constant 320 : i32
    %mul3A_11 = arith.muli %arg1, %mul3A_10 : i32
    %add3A_12 = arith.constant 128 : i32
    %add3A_13 = arith.addi %mul3A_11, %add3A_12 : i32
    "tpu.region"() ({
      %run_scoped3A = tpu.sem_alloc : memref<!tpu.dma_semaphore, #tpu.memory_space<semaphore_mem>>
      %dma_start3A_79 = arith.constant 0 : i32
      %dma_start3A_80 = arith.constant 0 : i32
      %dma_start3A_81 = tpu.memref_slice %arg9[%dma_start3A_79, %dma_start3A_80] : memref<128x128xf32, #tpu.memory_space<vmem>> -> memref<128x128xf32, #tpu.memory_space<vmem>>
      %dma_start3A_82 = arith.constant 0 : i32
      %dma_start3A_83 = tpu.memref_slice %arg12[%add3A_13, %dma_start3A_82] : memref<5120x128xf32, #tpu.memory_space<vmem_shared>> -> memref<128x128xf32, #tpu.memory_space<vmem_shared>>
      %dma_start3A_84 = arith.constant 0 : i32
      %dma_start3A_85 = tpu.memref_slice %arg12[%add3A_13, %dma_start3A_84] : memref<5120x128xf32, #tpu.memory_space<vmem_shared>> -> memref<128x128xf32, #tpu.memory_space<vmem_shared>>
      %dma_start3A_86 = arith.constant 0 : i32
      %dma_start3A_87 = arith.constant 0 : i32
      %dma_start3A_88 = tpu.memref_slice %arg9[%dma_start3A_86, %dma_start3A_87] : memref<128x128xf32, #tpu.memory_space<vmem>> -> memref<128x128xf32, #tpu.memory_space<vmem>>
      tpu.enqueue_dma source(%dma_start3A_88 : memref<128x128xf32, #tpu.memory_space<vmem>>) target(%dma_start3A_85 : memref<128x128xf32, #tpu.memory_space<vmem_shared>>) target_semaphore(%run_scoped3A : memref<!tpu.dma_semaphore, #tpu.memory_space<semaphore_mem>>)
      %dma_wait3A_89 = arith.constant 0 : i32
      %dma_wait3A_90 = arith.constant 0 : i32
      %dma_wait3A_91 = tpu.memref_slice %arg9[%dma_wait3A_89, %dma_wait3A_90] : memref<128x128xf32, #tpu.memory_space<vmem>> -> memref<128x128xf32, #tpu.memory_space<vmem>>
      %dma_wait3A_92 = arith.constant 0 : i32
      %dma_wait3A_93 = tpu.memref_slice %arg12[%add3A_13, %dma_wait3A_92] : memref<5120x128xf32, #tpu.memory_space<vmem_shared>> -> memref<128x128xf32, #tpu.memory_space<vmem_shared>>
      %dma_wait3A_94 = arith.constant 0 : i32
      %dma_wait3A_95 = tpu.memref_slice %arg12[%add3A_13, %dma_wait3A_94] : memref<5120x128xf32, #tpu.memory_space<vmem_shared>> -> memref<128x128xf32, #tpu.memory_space<vmem_shared>>
      %dma_wait3A_96 = arith.constant 0 : i32
      %dma_wait3A_97 = arith.constant 0 : i32
      %dma_wait3A_98 = tpu.memref_slice %arg9[%dma_wait3A_96, %dma_wait3A_97] : memref<128x128xf32, #tpu.memory_space<vmem>> -> memref<128x128xf32, #tpu.memory_space<vmem>>
      tpu.wait_dma2 semaphore(%run_scoped3A : memref<!tpu.dma_semaphore, #tpu.memory_space<semaphore_mem>>) src(%dma_wait3A_98 : memref<128x128xf32, #tpu.memory_space<vmem>>) dst(%dma_wait3A_95 : memref<128x128xf32, #tpu.memory_space<vmem_shared>>)
      tpu.yield
    }) : () -> ()
    %mul3A_14 = arith.constant 320 : i32
    %mul3A_15 = arith.muli %arg1, %mul3A_14 : i32
    %add3A_16 = arith.constant 256 : i32
    %add3A_17 = arith.addi %mul3A_15, %add3A_16 : i32
    "tpu.region"() ({
      %run_scoped3A = tpu.sem_alloc : memref<!tpu.dma_semaphore, #tpu.memory_space<semaphore_mem>>
      %dma_start3A_79 = arith.constant 0 : i32
      %dma_start3A_80 = arith.constant 0 : i32
      %dma_start3A_81 = tpu.memref_slice %arg9[%dma_start3A_79, %dma_start3A_80] : memref<128x128xf32, #tpu.memory_space<vmem>> -> memref<64x128xf32, #tpu.memory_space<vmem>>
      %dma_start3A_82 = arith.constant 0 : i32
      %dma_start3A_83 = tpu.memref_slice %arg12[%add3A_17, %dma_start3A_82] : memref<5120x128xf32, #tpu.memory_space<vmem_shared>> -> memref<64x128xf32, #tpu.memory_space<vmem_shared>>
      %dma_start3A_84 = arith.constant 0 : i32
      %dma_start3A_85 = tpu.memref_slice %arg12[%add3A_17, %dma_start3A_84] : memref<5120x128xf32, #tpu.memory_space<vmem_shared>> -> memref<64x128xf32, #tpu.memory_space<vmem_shared>>
      %dma_start3A_86 = arith.constant 0 : i32
      %dma_start3A_87 = arith.constant 0 : i32
      %dma_start3A_88 = tpu.memref_slice %arg9[%dma_start3A_86, %dma_start3A_87] : memref<128x128xf32, #tpu.memory_space<vmem>> -> memref<64x128xf32, #tpu.memory_space<vmem>>
      tpu.enqueue_dma source(%dma_start3A_88 : memref<64x128xf32, #tpu.memory_space<vmem>>) target(%dma_start3A_85 : memref<64x128xf32, #tpu.memory_space<vmem_shared>>) target_semaphore(%run_scoped3A : memref<!tpu.dma_semaphore, #tpu.memory_space<semaphore_mem>>)
      %dma_wait3A_89 = arith.constant 0 : i32
      %dma_wait3A_90 = arith.constant 0 : i32
      %dma_wait3A_91 = tpu.memref_slice %arg9[%dma_wait3A_89, %dma_wait3A_90] : memref<128x128xf32, #tpu.memory_space<vmem>> -> memref<64x128xf32, #tpu.memory_space<vmem>>
      %dma_wait3A_92 = arith.constant 0 : i32
      %dma_wait3A_93 = tpu.memref_slice %arg12[%add3A_17, %dma_wait3A_92] : memref<5120x128xf32, #tpu.memory_space<vmem_shared>> -> memref<64x128xf32, #tpu.memory_space<vmem_shared>>
      %dma_wait3A_94 = arith.constant 0 : i32
      %dma_wait3A_95 = tpu.memref_slice %arg12[%add3A_17, %dma_wait3A_94] : memref<5120x128xf32, #tpu.memory_space<vmem_shared>> -> memref<64x128xf32, #tpu.memory_space<vmem_shared>>
      %dma_wait3A_96 = arith.constant 0 : i32
      %dma_wait3A_97 = arith.constant 0 : i32
      %dma_wait3A_98 = tpu.memref_slice %arg9[%dma_wait3A_96, %dma_wait3A_97] : memref<128x128xf32, #tpu.memory_space<vmem>> -> memref<64x128xf32, #tpu.memory_space<vmem>>
      tpu.wait_dma2 semaphore(%run_scoped3A : memref<!tpu.dma_semaphore, #tpu.memory_space<semaphore_mem>>) src(%dma_wait3A_98 : memref<64x128xf32, #tpu.memory_space<vmem>>) dst(%dma_wait3A_95 : memref<64x128xf32, #tpu.memory_space<vmem_shared>>)
      tpu.yield
    }) : () -> ()
    %scan3A_18 = arith.constant 0 : i32
    %scan3A_19 = arith.constant 0 : i32
    %scan3A_20 = arith.constant 320 : i32
    %scan3A_21 = arith.addi %scan3A_19, %scan3A_20 : i32
    %scan3A_22 = arith.constant 1 : i32
    scf.for %scan3A_79 = %scan3A_19 to %scan3A_21 step %scan3A_22  : i32 {
      %broadcast_in_dim3A_80 = arith.constant 0.000000e+00 : f32
      %broadcast_in_dim3A_81 = vector.broadcast %broadcast_in_dim3A_80 : f32 to vector<16xf32>
      %mul3A_82 = arith.constant 16 : i32
      %mul3A_83 = arith.muli %scan3A_79, %mul3A_82 : i32
      %multiple_of3A = tpu.assume_multiple %mul3A_83, 16 : i32
      %swap3A = arith.index_cast %multiple_of3A : i32 to index
      %swap3A_84 = tpu.vector_load %arg11[%swap3A] {strides = array<i32>} : memref<5120xf32, #tpu.memory_space<vmem>>, vector<16xf32>,
      tpu.vector_store %arg11[%swap3A], %broadcast_in_dim3A_81 {strides = array<i32>} : memref<5120xf32, #tpu.memory_space<vmem>>, vector<16xf32>,
    }
    %scan3A_23 = arith.constant 320 : i32
    %barrier3A = arith.constant 0 : index
    tpu.barrier barrier_id(%barrier3A)
    %broadcast_in_dim3A = arith.constant 1.000000e+00 : f32
    %broadcast_in_dim3A_24 = vector.broadcast %broadcast_in_dim3A : f32 to vector<16xf32>
    %dma_start3A = arith.constant 0 : i32
    %dma_start3A_25 = arith.constant 0 : i32
    %dma_start3A_26 = tpu.memref_slice %arg7[%dma_start3A, %dma_start3A_25] : memref<80x128xi32, #tpu.memory_space<vmem>> -> memref<1x128xi32, #tpu.memory_space<vmem>>
    %dma_start3A_27 = tpu.memref_squeeze %dma_start3A_26 : memref<1x128xi32, #tpu.memory_space<vmem>> -> memref<128xi32, #tpu.memory_space<vmem>>
    %dma_start3A_28 = arith.constant 0 : i32
    %dma_start3A_29 = arith.constant 0 : i32
    %dma_start3A_30 = tpu.memref_slice %arg2[%dma_start3A_28, %dma_start3A_29] : memref<10000x128xf32, #tpu.memory_space<hbm>> -> memref<10000x128xf32, #tpu.memory_space<hbm>>
    tpu.enqueue_indirect_dma source(%dma_start3A_30 : memref<10000x128xf32, #tpu.memory_space<hbm>>) target(%arg9 : memref<128x128xf32, #tpu.memory_space<vmem>>) offsets(%dma_start3A_27 : memref<128xi32, #tpu.memory_space<vmem>>) semaphore(%arg13 : memref<!tpu.dma_semaphore, #tpu.memory_space<semaphore_mem>>)
    %get3A = arith.constant 0 : i32
    %get3A_31 = arith.index_cast %get3A : i32 to index
    %get3A_32 = arith.constant 0 : index
    %get3A_33 = tpu.vector_load %arg8[%get3A_31, %get3A_32] {strides = array<i32>} : memref<80x128xi32, #tpu.memory_space<vmem>>, vector<16xi32>,
    tpu.vector_store_idx %arg11[%get3A_33], %broadcast_in_dim3A_24 {add = true} : memref<5120xf32, #tpu.memory_space<vmem>>[vector<16xi32>], vector<16xf32>,
    %get3A_34 = arith.constant 0 : i32
    %get3A_35 = arith.index_cast %get3A_34 : i32 to index
    %get3A_36 = arith.constant 16 : index
    %get3A_37 = tpu.vector_load %arg8[%get3A_35, %get3A_36] {strides = array<i32>} : memref<80x128xi32, #tpu.memory_space<vmem>>, vector<16xi32>,
    tpu.vector_store_idx %arg11[%get3A_37], %broadcast_in_dim3A_24 {add = true} : memref<5120xf32, #tpu.memory_space<vmem>>[vector<16xi32>], vector<16xf32>,
    %get3A_38 = arith.constant 0 : i32
    %get3A_39 = arith.index_cast %get3A_38 : i32 to index
    %get3A_40 = arith.constant 32 : index
    %get3A_41 = tpu.vector_load %arg8[%get3A_39, %get3A_40] {strides = array<i32>} : memref<80x128xi32, #tpu.memory_space<vmem>>, vector<16xi32>,
    tpu.vector_store_idx %arg11[%get3A_41], %broadcast_in_dim3A_24 {add = true} : memref<5120xf32, #tpu.memory_space<vmem>>[vector<16xi32>], vector<16xf32>,
    %get3A_42 = arith.constant 0 : i32
    %get3A_43 = arith.index_cast %get3A_42 : i32 to index
    %get3A_44 = arith.constant 48 : index
    %get3A_45 = tpu.vector_load %arg8[%get3A_43, %get3A_44] {strides = array<i32>} : memref<80x128xi32, #tpu.memory_space<vmem>>, vector<16xi32>,
    tpu.vector_store_idx %arg11[%get3A_45], %broadcast_in_dim3A_24 {add = true} : memref<5120xf32, #tpu.memory_space<vmem>>[vector<16xi32>], vector<16xf32>,
    %get3A_46 = arith.constant 0 : i32
    %get3A_47 = arith.index_cast %get3A_46 : i32 to index
    %get3A_48 = arith.constant 64 : index
    %get3A_49 = tpu.vector_load %arg8[%get3A_47, %get3A_48] {strides = array<i32>} : memref<80x128xi32, #tpu.memory_space<vmem>>, vector<16xi32>,
    tpu.vector_store_idx %arg11[%get3A_49], %broadcast_in_dim3A_24 {add = true} : memref<5120xf32, #tpu.memory_space<vmem>>[vector<16xi32>], vector<16xf32>,
    %get3A_50 = arith.constant 0 : i32
    %get3A_51 = arith.index_cast %get3A_50 : i32 to index
    %get3A_52 = arith.constant 80 : index
    %get3A_53 = tpu.vector_load %arg8[%get3A_51, %get3A_52] {strides = array<i32>} : memref<80x128xi32, #tpu.memory_space<vmem>>, vector<16xi32>,
    tpu.vector_store_idx %arg11[%get3A_53], %broadcast_in_dim3A_24 {add = true} : memref<5120xf32, #tpu.memory_space<vmem>>[vector<16xi32>], vector<16xf32>,
    %get3A_54 = arith.constant 0 : i32
    %get3A_55 = arith.index_cast %get3A_54 : i32 to index
    %get3A_56 = arith.constant 96 : index
    %get3A_57 = tpu.vector_load %arg8[%get3A_55, %get3A_56] {strides = array<i32>} : memref<80x128xi32, #tpu.memory_space<vmem>>, vector<16xi32>,
    tpu.vector_store_idx %arg11[%get3A_57], %broadcast_in_dim3A_24 {add = true} : memref<5120xf32, #tpu.memory_space<vmem>>[vector<16xi32>], vector<16xf32>,
    %get3A_58 = arith.constant 0 : i32
    %get3A_59 = arith.index_cast %get3A_58 : i32 to index
    %get3A_60 = arith.constant 112 : index
    %get3A_61 = tpu.vector_load %arg8[%get3A_59, %get3A_60] {strides = array<i32>} : memref<80x128xi32, #tpu.memory_space<vmem>>, vector<16xi32>,
    tpu.vector_store_idx %arg11[%get3A_61], %broadcast_in_dim3A_24 {add = true} : memref<5120xf32, #tpu.memory_space<vmem>>[vector<16xi32>], vector<16xf32>,
    %scan3A_62 = arith.constant 0 : i32
    %scan3A_63 = arith.constant 0 : i32
    %scan3A_64 = arith.constant 40 : i32
    %scan3A_65 = arith.addi %scan3A_63, %scan3A_64 : i32
    %scan3A_66 = arith.constant 1 : i32
    scf.for %scan3A_79 = %scan3A_63 to %scan3A_65 step %scan3A_66  : i32 {
      %mul3A_80 = arith.constant 2 : i32
      %mul3A_81 = arith.muli %mul3A_80, %scan3A_79 : i32
      %dma_wait3A_82 = arith.constant 0 : i32
      %dma_wait3A_83 = arith.constant 0 : i32
      %dma_wait3A_84 = tpu.memref_slice %arg7[%dma_wait3A_82, %dma_wait3A_83] : memref<80x128xi32, #tpu.memory_space<vmem>> -> memref<1x128xi32, #tpu.memory_space<vmem>>
      %dma_wait3A_85 = tpu.memref_squeeze %dma_wait3A_84 : memref<1x128xi32, #tpu.memory_space<vmem>> -> memref<128xi32, #tpu.memory_space<vmem>>
      %dma_wait3A_86 = arith.constant 0 : i32
      %dma_wait3A_87 = arith.constant 0 : i32
      %dma_wait3A_88 = tpu.memref_slice %arg2[%dma_wait3A_86, %dma_wait3A_87] : memref<10000x128xf32, #tpu.memory_space<hbm>> -> memref<10000x128xf32, #tpu.memory_space<hbm>>
      tpu.wait_indirect_dma semaphore(%arg13 : memref<!tpu.dma_semaphore, #tpu.memory_space<semaphore_mem>>) src(%dma_wait3A_88 : memref<10000x128xf32, #tpu.memory_space<hbm>>) dst(%arg9 : memref<128x128xf32, #tpu.memory_space<vmem>>)
      %add3A_89 = arith.constant 1 : i32
      %add3A_90 = arith.addi %mul3A_81, %add3A_89 : i32
      %dma_start3A_91 = arith.constant 0 : i32
      %dma_start3A_92 = tpu.memref_slice %arg7[%add3A_90, %dma_start3A_91] : memref<80x128xi32, #tpu.memory_space<vmem>> -> memref<1x128xi32, #tpu.memory_space<vmem>>
      %dma_start3A_93 = tpu.memref_squeeze %dma_start3A_92 : memref<1x128xi32, #tpu.memory_space<vmem>> -> memref<128xi32, #tpu.memory_space<vmem>>
      %dma_start3A_94 = arith.constant 0 : i32
      %dma_start3A_95 = arith.constant 0 : i32
      %dma_start3A_96 = tpu.memref_slice %arg2[%dma_start3A_94, %dma_start3A_95] : memref<10000x128xf32, #tpu.memory_space<hbm>> -> memref<10000x128xf32, #tpu.memory_space<hbm>>
      tpu.enqueue_indirect_dma source(%dma_start3A_96 : memref<10000x128xf32, #tpu.memory_space<hbm>>) target(%arg10 : memref<128x128xf32, #tpu.memory_space<vmem>>) offsets(%dma_start3A_93 : memref<128xi32, #tpu.memory_space<vmem>>) semaphore(%arg14 : memref<!tpu.dma_semaphore, #tpu.memory_space<semaphore_mem>>)
      %add3A_97 = arith.constant 1 : i32
      %add3A_98 = arith.addi %mul3A_81, %add3A_97 : i32
      %get3A_99 = arith.index_cast %add3A_98 : i32 to index
      %get3A_100 = arith.constant 0 : index
      %get3A_101 = tpu.vector_load %arg8[%get3A_99, %get3A_100] {strides = array<i32>} : memref<80x128xi32, #tpu.memory_space<vmem>>, vector<16xi32>,
      tpu.vector_store_idx %arg11[%get3A_101], %broadcast_in_dim3A_24 {add = true} : memref<5120xf32, #tpu.memory_space<vmem>>[vector<16xi32>], vector<16xf32>,
      %get3A_102 = arith.index_cast %add3A_98 : i32 to index
      %get3A_103 = arith.constant 16 : index
      %get3A_104 = tpu.vector_load %arg8[%get3A_102, %get3A_103] {strides = array<i32>} : memref<80x128xi32, #tpu.memory_space<vmem>>, vector<16xi32>,
      tpu.vector_store_idx %arg11[%get3A_104], %broadcast_in_dim3A_24 {add = true} : memref<5120xf32, #tpu.memory_space<vmem>>[vector<16xi32>], vector<16xf32>,
      %get3A_105 = arith.index_cast %add3A_98 : i32 to index
      %get3A_106 = arith.constant 32 : index
      %get3A_107 = tpu.vector_load %arg8[%get3A_105, %get3A_106] {strides = array<i32>} : memref<80x128xi32, #tpu.memory_space<vmem>>, vector<16xi32>,
      tpu.vector_store_idx %arg11[%get3A_107], %broadcast_in_dim3A_24 {add = true} : memref<5120xf32, #tpu.memory_space<vmem>>[vector<16xi32>], vector<16xf32>,
      %get3A_108 = arith.index_cast %add3A_98 : i32 to index
      %get3A_109 = arith.constant 48 : index
      %get3A_110 = tpu.vector_load %arg8[%get3A_108, %get3A_109] {strides = array<i32>} : memref<80x128xi32, #tpu.memory_space<vmem>>, vector<16xi32>,
      tpu.vector_store_idx %arg11[%get3A_110], %broadcast_in_dim3A_24 {add = true} : memref<5120xf32, #tpu.memory_space<vmem>>[vector<16xi32>], vector<16xf32>,
      %get3A_111 = arith.index_cast %add3A_98 : i32 to index
      %get3A_112 = arith.constant 64 : index
      %get3A_113 = tpu.vector_load %arg8[%get3A_111, %get3A_112] {strides = array<i32>} : memref<80x128xi32, #tpu.memory_space<vmem>>, vector<16xi32>,
      tpu.vector_store_idx %arg11[%get3A_113], %broadcast_in_dim3A_24 {add = true} : memref<5120xf32, #tpu.memory_space<vmem>>[vector<16xi32>], vector<16xf32>,
      %get3A_114 = arith.index_cast %add3A_98 : i32 to index
      %get3A_115 = arith.constant 80 : index
      %get3A_116 = tpu.vector_load %arg8[%get3A_114, %get3A_115] {strides = array<i32>} : memref<80x128xi32, #tpu.memory_space<vmem>>, vector<16xi32>,
      tpu.vector_store_idx %arg11[%get3A_116], %broadcast_in_dim3A_24 {add = true} : memref<5120xf32, #tpu.memory_space<vmem>>[vector<16xi32>], vector<16xf32>,
      %get3A_117 = arith.index_cast %add3A_98 : i32 to index
      %get3A_118 = arith.constant 96 : index
      %get3A_119 = tpu.vector_load %arg8[%get3A_117, %get3A_118] {strides = array<i32>} : memref<80x128xi32, #tpu.memory_space<vmem>>, vector<16xi32>,
      tpu.vector_store_idx %arg11[%get3A_119], %broadcast_in_dim3A_24 {add = true} : memref<5120xf32, #tpu.memory_space<vmem>>[vector<16xi32>], vector<16xf32>,
      %get3A_120 = arith.index_cast %add3A_98 : i32 to index
      %get3A_121 = arith.constant 112 : index
      %get3A_122 = tpu.vector_load %arg8[%get3A_120, %get3A_121] {strides = array<i32>} : memref<80x128xi32, #tpu.memory_space<vmem>>, vector<16xi32>,
      tpu.vector_store_idx %arg11[%get3A_122], %broadcast_in_dim3A_24 {add = true} : memref<5120xf32, #tpu.memory_space<vmem>>[vector<16xi32>], vector<16xf32>,
      "tpu.region"() ({
        %run_scoped3A = tpu.sem_alloc : memref<!tpu.dma_semaphore, #tpu.memory_space<semaphore_mem>>
        %dma_start3A_145 = arith.constant 0 : i32
        %dma_start3A_146 = tpu.memref_slice %arg8[%mul3A_81, %dma_start3A_145] : memref<80x128xi32, #tpu.memory_space<vmem>> -> memref<1x128xi32, #tpu.memory_space<vmem>>
        %dma_start3A_147 = tpu.memref_squeeze %dma_start3A_146 : memref<1x128xi32, #tpu.memory_space<vmem>> -> memref<128xi32, #tpu.memory_space<vmem>>
        %dma_start3A_148 = arith.constant 0 : i32
        %dma_start3A_149 = arith.constant 0 : i32
        %dma_start3A_150 = tpu.memref_slice %arg12[%dma_start3A_148, %dma_start3A_149] : memref<5120x128xf32, #tpu.memory_space<vmem_shared>> -> memref<5120x128xf32, #tpu.memory_space<vmem_shared>>
        tpu.enqueue_indirect_dma source(%arg9 : memref<128x128xf32, #tpu.memory_space<vmem>>) target(%dma_start3A_150 : memref<5120x128xf32, #tpu.memory_space<vmem_shared>>) offsets(%dma_start3A_147 : memref<128xi32, #tpu.memory_space<vmem>>) semaphore(%run_scoped3A : memref<!tpu.dma_semaphore, #tpu.memory_space<semaphore_mem>>) {add = true}
        %dma_wait3A_151 = arith.constant 0 : i32
        %dma_wait3A_152 = tpu.memref_slice %arg8[%mul3A_81, %dma_wait3A_151] : memref<80x128xi32, #tpu.memory_space<vmem>> -> memref<1x128xi32, #tpu.memory_space<vmem>>
        %dma_wait3A_153 = tpu.memref_squeeze %dma_wait3A_152 : memref<1x128xi32, #tpu.memory_space<vmem>> -> memref<128xi32, #tpu.memory_space<vmem>>
        %dma_wait3A_154 = arith.constant 0 : i32
        %dma_wait3A_155 = arith.constant 0 : i32
        %dma_wait3A_156 = tpu.memref_slice %arg12[%dma_wait3A_154, %dma_wait3A_155] : memref<5120x128xf32, #tpu.memory_space<vmem_shared>> -> memref<5120x128xf32, #tpu.memory_space<vmem_shared>>
        tpu.wait_indirect_dma semaphore(%run_scoped3A : memref<!tpu.dma_semaphore, #tpu.memory_space<semaphore_mem>>) src(%arg9 : memref<128x128xf32, #tpu.memory_space<vmem>>) dst(%dma_wait3A_156 : memref<5120x128xf32, #tpu.memory_space<vmem_shared>>)
        tpu.yield
      }) : () -> ()
      %dma_wait3A_123 = arith.constant 0 : i32
      %dma_wait3A_124 = arith.constant 0 : i32
      %dma_wait3A_125 = tpu.memref_slice %arg7[%dma_wait3A_123, %dma_wait3A_124] : memref<80x128xi32, #tpu.memory_space<vmem>> -> memref<1x128xi32, #tpu.memory_space<vmem>>
      %dma_wait3A_126 = tpu.memref_squeeze %dma_wait3A_125 : memref<1x128xi32, #tpu.memory_space<vmem>> -> memref<128xi32, #tpu.memory_space<vmem>>
      %dma_wait3A_127 = arith.constant 0 : i32
      %dma_wait3A_128 = arith.constant 0 : i32
      %dma_wait3A_129 = tpu.memref_slice %arg2[%dma_wait3A_127, %dma_wait3A_128] : memref<10000x128xf32, #tpu.memory_space<hbm>> -> memref<10000x128xf32, #tpu.memory_space<hbm>>
      tpu.wait_indirect_dma semaphore(%arg14 : memref<!tpu.dma_semaphore, #tpu.memory_space<semaphore_mem>>) src(%dma_wait3A_129 : memref<10000x128xf32, #tpu.memory_space<hbm>>) dst(%arg10 : memref<128x128xf32, #tpu.memory_space<vmem>>)
      %add3A_130 = arith.constant 2 : i32
      %add3A_131 = arith.addi %mul3A_81, %add3A_130 : i32
      %min3A = arith.constant 79 : i32
      %min3A_132 = arith.minsi %add3A_131, %min3A : i32
      %dma_start3A_133 = arith.constant 0 : i32
      %dma_start3A_134 = tpu.memref_slice %arg7[%min3A_132, %dma_start3A_133] : memref<80x128xi32, #tpu.memory_space<vmem>> -> memref<1x128xi32, #tpu.memory_space<vmem>>
      %dma_start3A_135 = tpu.memref_squeeze %dma_start3A_134 : memref<1x128xi32, #tpu.memory_space<vmem>> -> memref<128xi32, #tpu.memory_space<vmem>>
      %dma_start3A_136 = arith.constant 0 : i32
      %dma_start3A_137 = arith.constant 0 : i32
      %dma_start3A_138 = tpu.memref_slice %arg2[%dma_start3A_136, %dma_start3A_137] : memref<10000x128xf32, #tpu.memory_space<hbm>> -> memref<10000x128xf32, #tpu.memory_space<hbm>>
      tpu.enqueue_indirect_dma source(%dma_start3A_138 : memref<10000x128xf32, #tpu.memory_space<hbm>>) target(%arg9 : memref<128x128xf32, #tpu.memory_space<vmem>>) offsets(%dma_start3A_135 : memref<128xi32, #tpu.memory_space<vmem>>) semaphore(%arg13 : memref<!tpu.dma_semaphore, #tpu.memory_space<semaphore_mem>>)
      %add3A_139 = arith.constant 1 : i32
      %add3A_140 = arith.addi %scan3A_79, %add3A_139 : i32
      %lt3A = arith.constant 40 : i32
      %lt3A_141 = arith.cmpi slt, %add3A_140, %lt3A : i32
      %convert_element_type3A = arith.extui %lt3A_141 : i1 to i32
      %cond3A = arith.constant 0 : i32
      %cond3A_142 = arith.cmpi ne, %convert_element_type3A, %cond3A : i32
      scf.if %cond3A_142 {
        %add3A_145 = arith.constant 2 : i32
        %add3A_146 = arith.addi %mul3A_81, %add3A_145 : i32
        %get3A_147 = arith.index_cast %add3A_146 : i32 to index
        %get3A_148 = arith.constant 0 : index
        %get3A_149 = tpu.vector_load %arg8[%get3A_147, %get3A_148] {strides = array<i32>} : memref<80x128xi32, #tpu.memory_space<vmem>>, vector<16xi32>,
        tpu.vector_store_idx %arg11[%get3A_149], %broadcast_in_dim3A_24 {add = true} : memref<5120xf32, #tpu.memory_space<vmem>>[vector<16xi32>], vector<16xf32>,
        %get3A_150 = arith.index_cast %add3A_146 : i32 to index
        %get3A_151 = arith.constant 16 : index
        %get3A_152 = tpu.vector_load %arg8[%get3A_150, %get3A_151] {strides = array<i32>} : memref<80x128xi32, #tpu.memory_space<vmem>>, vector<16xi32>,
        tpu.vector_store_idx %arg11[%get3A_152], %broadcast_in_dim3A_24 {add = true} : memref<5120xf32, #tpu.memory_space<vmem>>[vector<16xi32>], vector<16xf32>,
        %get3A_153 = arith.index_cast %add3A_146 : i32 to index
        %get3A_154 = arith.constant 32 : index
        %get3A_155 = tpu.vector_load %arg8[%get3A_153, %get3A_154] {strides = array<i32>} : memref<80x128xi32, #tpu.memory_space<vmem>>, vector<16xi32>,
        tpu.vector_store_idx %arg11[%get3A_155], %broadcast_in_dim3A_24 {add = true} : memref<5120xf32, #tpu.memory_space<vmem>>[vector<16xi32>], vector<16xf32>,
        %get3A_156 = arith.index_cast %add3A_146 : i32 to index
        %get3A_157 = arith.constant 48 : index
        %get3A_158 = tpu.vector_load %arg8[%get3A_156, %get3A_157] {strides = array<i32>} : memref<80x128xi32, #tpu.memory_space<vmem>>, vector<16xi32>,
        tpu.vector_store_idx %arg11[%get3A_158], %broadcast_in_dim3A_24 {add = true} : memref<5120xf32, #tpu.memory_space<vmem>>[vector<16xi32>], vector<16xf32>,
        %get3A_159 = arith.index_cast %add3A_146 : i32 to index
        %get3A_160 = arith.constant 64 : index
        %get3A_161 = tpu.vector_load %arg8[%get3A_159, %get3A_160] {strides = array<i32>} : memref<80x128xi32, #tpu.memory_space<vmem>>, vector<16xi32>,
        tpu.vector_store_idx %arg11[%get3A_161], %broadcast_in_dim3A_24 {add = true} : memref<5120xf32, #tpu.memory_space<vmem>>[vector<16xi32>], vector<16xf32>,
        %get3A_162 = arith.index_cast %add3A_146 : i32 to index
        %get3A_163 = arith.constant 80 : index
        %get3A_164 = tpu.vector_load %arg8[%get3A_162, %get3A_163] {strides = array<i32>} : memref<80x128xi32, #tpu.memory_space<vmem>>, vector<16xi32>,
        tpu.vector_store_idx %arg11[%get3A_164], %broadcast_in_dim3A_24 {add = true} : memref<5120xf32, #tpu.memory_space<vmem>>[vector<16xi32>], vector<16xf32>,
        %get3A_165 = arith.index_cast %add3A_146 : i32 to index
        %get3A_166 = arith.constant 96 : index
        %get3A_167 = tpu.vector_load %arg8[%get3A_165, %get3A_166] {strides = array<i32>} : memref<80x128xi32, #tpu.memory_space<vmem>>, vector<16xi32>,
        tpu.vector_store_idx %arg11[%get3A_167], %broadcast_in_dim3A_24 {add = true} : memref<5120xf32, #tpu.memory_space<vmem>>[vector<16xi32>], vector<16xf32>,
        %get3A_168 = arith.index_cast %add3A_146 : i32 to index
        %get3A_169 = arith.constant 112 : index
        %get3A_170 = tpu.vector_load %arg8[%get3A_168, %get3A_169] {strides = array<i32>} : memref<80x128xi32, #tpu.memory_space<vmem>>, vector<16xi32>,
        tpu.vector_store_idx %arg11[%get3A_170], %broadcast_in_dim3A_24 {add = true} : memref<5120xf32, #tpu.memory_space<vmem>>[vector<16xi32>], vector<16xf32>,
      } else {
      }
      %add3A_143 = arith.constant 1 : i32
      %add3A_144 = arith.addi %mul3A_81, %add3A_143 : i32
      "tpu.region"() ({
        %run_scoped3A = tpu.sem_alloc : memref<!tpu.dma_semaphore, #tpu.memory_space<semaphore_mem>>
        %dma_start3A_145 = arith.constant 0 : i32
        %dma_start3A_146 = tpu.memref_slice %arg8[%add3A_144, %dma_start3A_145] : memref<80x128xi32, #tpu.memory_space<vmem>> -> memref<1x128xi32, #tpu.memory_space<vmem>>
        %dma_start3A_147 = tpu.memref_squeeze %dma_start3A_146 : memref<1x128xi32, #tpu.memory_space<vmem>> -> memref<128xi32, #tpu.memory_space<vmem>>
        %dma_start3A_148 = arith.constant 0 : i32
        %dma_start3A_149 = arith.constant 0 : i32
        %dma_start3A_150 = tpu.memref_slice %arg12[%dma_start3A_148, %dma_start3A_149] : memref<5120x128xf32, #tpu.memory_space<vmem_shared>> -> memref<5120x128xf32, #tpu.memory_space<vmem_shared>>
        tpu.enqueue_indirect_dma source(%arg10 : memref<128x128xf32, #tpu.memory_space<vmem>>) target(%dma_start3A_150 : memref<5120x128xf32, #tpu.memory_space<vmem_shared>>) offsets(%dma_start3A_147 : memref<128xi32, #tpu.memory_space<vmem>>) semaphore(%run_scoped3A : memref<!tpu.dma_semaphore, #tpu.memory_space<semaphore_mem>>) {add = true}
        %dma_wait3A_151 = arith.constant 0 : i32
        %dma_wait3A_152 = tpu.memref_slice %arg8[%add3A_144, %dma_wait3A_151] : memref<80x128xi32, #tpu.memory_space<vmem>> -> memref<1x128xi32, #tpu.memory_space<vmem>>
        %dma_wait3A_153 = tpu.memref_squeeze %dma_wait3A_152 : memref<1x128xi32, #tpu.memory_space<vmem>> -> memref<128xi32, #tpu.memory_space<vmem>>
        %dma_wait3A_154 = arith.constant 0 : i32
        %dma_wait3A_155 = arith.constant 0 : i32
        %dma_wait3A_156 = tpu.memref_slice %arg12[%dma_wait3A_154, %dma_wait3A_155] : memref<5120x128xf32, #tpu.memory_space<vmem_shared>> -> memref<5120x128xf32, #tpu.memory_space<vmem_shared>>
        tpu.wait_indirect_dma semaphore(%run_scoped3A : memref<!tpu.dma_semaphore, #tpu.memory_space<semaphore_mem>>) src(%arg10 : memref<128x128xf32, #tpu.memory_space<vmem>>) dst(%dma_wait3A_156 : memref<5120x128xf32, #tpu.memory_space<vmem_shared>>)
        tpu.yield
      }) : () -> ()
    }
    %scan3A_67 = arith.constant 40 : i32
    %dma_wait3A = arith.constant 0 : i32
    %dma_wait3A_68 = arith.constant 0 : i32
    %dma_wait3A_69 = tpu.memref_slice %arg7[%dma_wait3A, %dma_wait3A_68] : memref<80x128xi32, #tpu.memory_space<vmem>> -> memref<1x128xi32, #tpu.memory_space<vmem>>
    %dma_wait3A_70 = tpu.memref_squeeze %dma_wait3A_69 : memref<1x128xi32, #tpu.memory_space<vmem>> -> memref<128xi32, #tpu.memory_space<vmem>>
    %dma_wait3A_71 = arith.constant 0 : i32
    %dma_wait3A_72 = arith.constant 0 : i32
    %dma_wait3A_73 = tpu.memref_slice %arg2[%dma_wait3A_71, %dma_wait3A_72] : memref<10000x128xf32, #tpu.memory_space<hbm>> -> memref<10000x128xf32, #tpu.memory_space<hbm>>
    tpu.wait_indirect_dma semaphore(%arg13 : memref<!tpu.dma_semaphore, #tpu.memory_space<semaphore_mem>>) src(%dma_wait3A_73 : memref<10000x128xf32, #tpu.memory_space<hbm>>) dst(%arg9 : memref<128x128xf32, #tpu.memory_space<vmem>>)
    "tpu.region"() ({
      %run_scoped3A = tpu.sem_alloc : memref<!tpu.dma_semaphore, #tpu.memory_space<semaphore_mem>>
      %dma_start3A_79 = arith.constant 0 : i32
      %dma_start3A_80 = tpu.memref_slice %arg6[%add3A, %dma_start3A_79] : memref<32x5120xf32, #tpu.memory_space<hbm>> -> memref<1x5120xf32, #tpu.memory_space<hbm>>
      %dma_start3A_81 = tpu.memref_squeeze %dma_start3A_80 : memref<1x5120xf32, #tpu.memory_space<hbm>> -> memref<5120xf32, #tpu.memory_space<hbm>>
      %dma_start3A_82 = arith.constant 0 : i32
      %dma_start3A_83 = tpu.memref_slice %arg6[%add3A, %dma_start3A_82] : memref<32x5120xf32, #tpu.memory_space<hbm>> -> memref<1x5120xf32, #tpu.memory_space<hbm>>
      %dma_start3A_84 = tpu.memref_squeeze %dma_start3A_83 : memref<1x5120xf32, #tpu.memory_space<hbm>> -> memref<5120xf32, #tpu.memory_space<hbm>>
      tpu.enqueue_dma source(%arg11 : memref<5120xf32, #tpu.memory_space<vmem>>) target(%dma_start3A_84 : memref<5120xf32, #tpu.memory_space<hbm>>) target_semaphore(%run_scoped3A : memref<!tpu.dma_semaphore, #tpu.memory_space<semaphore_mem>>)
      %dma_wait3A_85 = arith.constant 0 : i32
      %dma_wait3A_86 = tpu.memref_slice %arg6[%add3A, %dma_wait3A_85] : memref<32x5120xf32, #tpu.memory_space<hbm>> -> memref<1x5120xf32, #tpu.memory_space<hbm>>
      %dma_wait3A_87 = tpu.memref_squeeze %dma_wait3A_86 : memref<1x5120xf32, #tpu.memory_space<hbm>> -> memref<5120xf32, #tpu.memory_space<hbm>>
      %dma_wait3A_88 = arith.constant 0 : i32
      %dma_wait3A_89 = tpu.memref_slice %arg6[%add3A, %dma_wait3A_88] : memref<32x5120xf32, #tpu.memory_space<hbm>> -> memref<1x5120xf32, #tpu.memory_space<hbm>>
      %dma_wait3A_90 = tpu.memref_squeeze %dma_wait3A_89 : memref<1x5120xf32, #tpu.memory_space<hbm>> -> memref<5120xf32, #tpu.memory_space<hbm>>
      tpu.wait_dma2 semaphore(%run_scoped3A : memref<!tpu.dma_semaphore, #tpu.memory_space<semaphore_mem>>) src(%arg11 : memref<5120xf32, #tpu.memory_space<vmem>>) dst(%dma_wait3A_90 : memref<5120xf32, #tpu.memory_space<hbm>>)
      tpu.yield
    }) : () -> ()
    %barrier3A_74 = arith.constant 0 : index
    tpu.barrier barrier_id(%barrier3A_74)
    %mul3A_75 = arith.constant 320 : i32
    %mul3A_76 = arith.muli %arg1, %mul3A_75 : i32
    %mul3A_77 = arith.constant 320 : i32
    %mul3A_78 = arith.muli %arg1, %mul3A_77 : i32
    "tpu.region"() ({
      %run_scoped3A = tpu.sem_alloc : memref<!tpu.dma_semaphore, #tpu.memory_space<semaphore_mem>>
      %dma_start3A_79 = arith.constant 0 : i32
      %dma_start3A_80 = tpu.memref_slice %arg5[%arg0, %mul3A_78, %dma_start3A_79] : memref<2x5120x128xf32, #tpu.memory_space<hbm>> -> memref<1x320x128xf32, #tpu.memory_space<hbm>>
      %dma_start3A_81 = tpu.memref_squeeze %dma_start3A_80 : memref<1x320x128xf32, #tpu.memory_space<hbm>> -> memref<320x128xf32, #tpu.memory_space<hbm>>
      %dma_start3A_82 = arith.constant 0 : i32
      %dma_start3A_83 = tpu.memref_slice %arg12[%mul3A_76, %dma_start3A_82] : memref<5120x128xf32, #tpu.memory_space<vmem_shared>> -> memref<320x128xf32, #tpu.memory_space<vmem_shared>>
      tpu.enqueue_dma source(%dma_start3A_83 : memref<320x128xf32, #tpu.memory_space<vmem_shared>>) target(%dma_start3A_81 : memref<320x128xf32, #tpu.memory_space<hbm>>) target_semaphore(%run_scoped3A : memref<!tpu.dma_semaphore, #tpu.memory_space<semaphore_mem>>)
      %dma_wait3A_84 = arith.constant 0 : i32
      %dma_wait3A_85 = tpu.memref_slice %arg5[%arg0, %mul3A_78, %dma_wait3A_84] : memref<2x5120x128xf32, #tpu.memory_space<hbm>> -> memref<1x320x128xf32, #tpu.memory_space<hbm>>
      %dma_wait3A_86 = tpu.memref_squeeze %dma_wait3A_85 : memref<1x320x128xf32, #tpu.memory_space<hbm>> -> memref<320x128xf32, #tpu.memory_space<hbm>>
      %dma_wait3A_87 = arith.constant 0 : i32
      %dma_wait3A_88 = tpu.memref_slice %arg12[%mul3A_76, %dma_wait3A_87] : memref<5120x128xf32, #tpu.memory_space<vmem_shared>> -> memref<320x128xf32, #tpu.memory_space<vmem_shared>>
      tpu.wait_dma2 semaphore(%run_scoped3A : memref<!tpu.dma_semaphore, #tpu.memory_space<semaphore_mem>>) src(%dma_wait3A_88 : memref<320x128xf32, #tpu.memory_space<vmem_shared>>) dst(%dma_wait3A_86 : memref<320x128xf32, #tpu.memory_space<hbm>>)
      tpu.yield
    }) : () -> ()
    return
  }
}

module attributes {stable_mosaic.version = 14 : i64} {
  func.func @body(%arg0: memref<2x5120x128xf32, #tpu.memory_space<vmem>>, %arg1: memref<32x5120xf32, #tpu.memory_space<vmem>>, %arg2: memref<5000x128xf32, #tpu.memory_space<vmem>>, %arg3: memref<128x128xf32, #tpu.memory_space<vmem>>, %arg4: memref<128x128xf32, #tpu.memory_space<vmem>>, %arg5: memref<1x128xf32, #tpu.memory_space<vmem>>, %arg6: memref<128x47xf32, #tpu.memory_space<vmem>>, %arg7: memref<1x47xf32, #tpu.memory_space<vmem>>, %arg8: memref<5000x128xf32, #tpu.memory_space<vmem>>, %arg9: memref<1000x47xf32, #tpu.memory_space<vmem>>) attributes {dimension_semantics = [], scalar_prefetch = 0 : i64, scratch_operands = 0 : i64, tpu.core_type = #tpu.core_type<tc>} {
    %get3A = arith.constant 0 : index
    %get3A_0 = arith.constant 0 : index
    %get3A_1 = arith.constant 0 : index
    %get3A_2 = vector.load %arg0[%get3A, %get3A_0, %get3A_1] : memref<2x5120x128xf32, #tpu.memory_space<vmem>>, vector<1x5120x128xf32>
    %get3A_3 = vector.shape_cast %get3A_2 : vector<1x5120x128xf32> to vector<5120x128xf32>
    %get3A_4 = arith.constant 1 : index
    %get3A_5 = arith.constant 0 : index
    %get3A_6 = arith.constant 0 : index
    %get3A_7 = vector.load %arg0[%get3A_4, %get3A_5, %get3A_6] : memref<2x5120x128xf32, #tpu.memory_space<vmem>>, vector<1x5120x128xf32>
    %get3A_8 = vector.shape_cast %get3A_7 : vector<1x5120x128xf32> to vector<5120x128xf32>
    %add3A = arith.addf %get3A_3, %get3A_8 : vector<5120x128xf32>
    %slice3A = vector.extract_strided_slice %add3A {offsets = [0, 0], sizes = [5000, 128], strides = [1, 1]} : vector<5120x128xf32> to vector<5000x128xf32>
    %get3A_9 = arith.constant 0 : index
    %get3A_10 = arith.constant 0 : index
    %get3A_11 = vector.load %arg1[%get3A_9, %get3A_10] : memref<32x5120xf32, #tpu.memory_space<vmem>>, vector<32x5120xf32>
    %reduce_sum3A = arith.constant dense<0.000000e+00> : vector<5120xf32>
    %reduce_sum3A_12 = vector.multi_reduction <add>, %get3A_11, %reduce_sum3A [0] : vector<32x5120xf32> to vector<5120xf32>
    %max3A = arith.constant 1.000000e+00 : f32
    %max3A_13 = vector.broadcast %max3A : f32 to vector<5120xf32>
    %max3A_14 = arith.maximumf %reduce_sum3A_12, %max3A_13 : vector<5120xf32>
    %slice3A_15 = vector.extract_strided_slice %max3A_14 {offsets = [0], sizes = [5000], strides = [1]} : vector<5120xf32> to vector<5000xf32>
    %broadcast_in_dim3A = vector.shape_cast %slice3A_15 : vector<5000xf32> to vector<5000x1xf32>
    %div3A = vector.broadcast %broadcast_in_dim3A : vector<5000x1xf32> to vector<5000x128xf32>
    %div3A_16 = arith.divf %slice3A, %div3A : vector<5000x128xf32>
    %get3A_17 = arith.constant 0 : index
    %get3A_18 = arith.constant 0 : index
    %get3A_19 = vector.load %arg2[%get3A_17, %get3A_18] : memref<5000x128xf32, #tpu.memory_space<vmem>>, vector<5000x128xf32>
    %get3A_20 = arith.constant 0 : index
    %get3A_21 = arith.constant 0 : index
    %get3A_22 = vector.load %arg3[%get3A_20, %get3A_21] : memref<128x128xf32, #tpu.memory_space<vmem>>, vector<128x128xf32>
    %dot_general3A = arith.constant dense<0.000000e+00> : vector<5000x128xf32>
    %dot_general3A_23 = tpu.matmul %get3A_19, %get3A_22, %dot_general3A {dimension_numbers = #tpu.dot_dimension_numbers<[1], [0], [0], [1], [0, 0, 1, 1], [], []>, transpose_lhs_hint = false} : vector<5000x128xf32>, vector<128x128xf32>, vector<5000x128xf32> -> vector<5000x128xf32>
    %get3A_24 = arith.constant 0 : index
    %get3A_25 = arith.constant 0 : index
    %get3A_26 = vector.load %arg4[%get3A_24, %get3A_25] : memref<128x128xf32, #tpu.memory_space<vmem>>, vector<128x128xf32>
    %dot_general3A_27 = arith.constant dense<0.000000e+00> : vector<5000x128xf32>
    %dot_general3A_28 = tpu.matmul %div3A_16, %get3A_26, %dot_general3A_27 {dimension_numbers = #tpu.dot_dimension_numbers<[1], [0], [0], [1], [0, 0, 1, 1], [], []>, transpose_lhs_hint = false} : vector<5000x128xf32>, vector<128x128xf32>, vector<5000x128xf32> -> vector<5000x128xf32>
    %add3A_29 = arith.addf %dot_general3A_23, %dot_general3A_28 : vector<5000x128xf32>
    %get3A_30 = arith.constant 0 : index
    %get3A_31 = arith.constant 0 : index
    %get3A_32 = vector.load %arg5[%get3A_30, %get3A_31] : memref<1x128xf32, #tpu.memory_space<vmem>>, vector<1x128xf32>
    %add3A_33 = vector.broadcast %get3A_32 : vector<1x128xf32> to vector<5000x128xf32>
    %add3A_34 = arith.addf %add3A_29, %add3A_33 : vector<5000x128xf32>
    %max3A_35 = arith.constant 0.000000e+00 : f32
    %max3A_36 = vector.broadcast %max3A_35 : f32 to vector<5000x128xf32>
    %max3A_37 = arith.maximumf %add3A_34, %max3A_36 : vector<5000x128xf32>
    %swap3A = arith.constant 0 : index
    %swap3A_38 = arith.constant 0 : index
    %swap3A_39 = vector.load %arg8[%swap3A, %swap3A_38] : memref<5000x128xf32, #tpu.memory_space<vmem>>, vector<5000x128xf32>
    tpu.vector_store %arg8[%swap3A, %swap3A_38], %max3A_37 {strides = array<i32>} : memref<5000x128xf32, #tpu.memory_space<vmem>>, vector<5000x128xf32>,
    %slice3A_40 = vector.extract_strided_slice %max3A_37 {offsets = [0, 0], sizes = [1000, 128], strides = [1, 1]} : vector<5000x128xf32> to vector<1000x128xf32>
    %get3A_41 = arith.constant 0 : index
    %get3A_42 = arith.constant 0 : index
    %get3A_43 = vector.load %arg6[%get3A_41, %get3A_42] : memref<128x47xf32, #tpu.memory_space<vmem>>, vector<128x47xf32>
    %dot_general3A_44 = arith.constant dense<0.000000e+00> : vector<1000x47xf32>
    %dot_general3A_45 = tpu.matmul %slice3A_40, %get3A_43, %dot_general3A_44 {dimension_numbers = #tpu.dot_dimension_numbers<[1], [0], [0], [1], [0, 0, 1, 1], [], []>, transpose_lhs_hint = false} : vector<1000x128xf32>, vector<128x47xf32>, vector<1000x47xf32> -> vector<1000x47xf32>
    %get3A_46 = arith.constant 0 : index
    %get3A_47 = arith.constant 0 : index
    %get3A_48 = vector.load %arg7[%get3A_46, %get3A_47] : memref<1x47xf32, #tpu.memory_space<vmem>>, vector<1x47xf32>
    %add3A_49 = vector.broadcast %get3A_48 : vector<1x47xf32> to vector<1000x47xf32>
    %add3A_50 = arith.addf %dot_general3A_45, %add3A_49 : vector<1000x47xf32>
    %swap3A_51 = arith.constant 0 : index
    %swap3A_52 = arith.constant 0 : index
    %swap3A_53 = vector.load %arg9[%swap3A_51, %swap3A_52] : memref<1000x47xf32, #tpu.memory_space<vmem>>, vector<1000x47xf32>
    tpu.vector_store %arg9[%swap3A_51, %swap3A_52], %add3A_50 {strides = array<i32>} : memref<1000x47xf32, #tpu.memory_space<vmem>>, vector<1000x47xf32>,
    return
  }
}

module attributes {stable_mosaic.version = 14 : i64} {
  func.func @body(%arg0: memref<2x1024x128xf32, #tpu.memory_space<vmem>>, %arg1: memref<32x1024xf32, #tpu.memory_space<vmem>>, %arg2: memref<1000x47xf32, #tpu.memory_space<vmem>>, %arg3: memref<128x47xf32, #tpu.memory_space<vmem>>, %arg4: memref<1000x47xf32, #tpu.memory_space<vmem>>) attributes {dimension_semantics = [], scalar_prefetch = 0 : i64, scratch_operands = 0 : i64, tpu.core_type = #tpu.core_type<tc>} {
    %get3A = arith.constant 0 : index
    %get3A_0 = arith.constant 0 : index
    %get3A_1 = arith.constant 0 : index
    %get3A_2 = vector.load %arg0[%get3A, %get3A_0, %get3A_1] : memref<2x1024x128xf32, #tpu.memory_space<vmem>>, vector<1x1024x128xf32>
    %get3A_3 = vector.shape_cast %get3A_2 : vector<1x1024x128xf32> to vector<1024x128xf32>
    %get3A_4 = arith.constant 1 : index
    %get3A_5 = arith.constant 0 : index
    %get3A_6 = arith.constant 0 : index
    %get3A_7 = vector.load %arg0[%get3A_4, %get3A_5, %get3A_6] : memref<2x1024x128xf32, #tpu.memory_space<vmem>>, vector<1x1024x128xf32>
    %get3A_8 = vector.shape_cast %get3A_7 : vector<1x1024x128xf32> to vector<1024x128xf32>
    %add3A = arith.addf %get3A_3, %get3A_8 : vector<1024x128xf32>
    %slice3A = vector.extract_strided_slice %add3A {offsets = [0, 0], sizes = [1000, 128], strides = [1, 1]} : vector<1024x128xf32> to vector<1000x128xf32>
    %get3A_9 = arith.constant 0 : index
    %get3A_10 = arith.constant 0 : index
    %get3A_11 = vector.load %arg1[%get3A_9, %get3A_10] : memref<32x1024xf32, #tpu.memory_space<vmem>>, vector<32x1024xf32>
    %reduce_sum3A = arith.constant dense<0.000000e+00> : vector<1024xf32>
    %reduce_sum3A_12 = vector.multi_reduction <add>, %get3A_11, %reduce_sum3A [0] : vector<32x1024xf32> to vector<1024xf32>
    %max3A = arith.constant 1.000000e+00 : f32
    %max3A_13 = vector.broadcast %max3A : f32 to vector<1024xf32>
    %max3A_14 = arith.maximumf %reduce_sum3A_12, %max3A_13 : vector<1024xf32>
    %slice3A_15 = vector.extract_strided_slice %max3A_14 {offsets = [0], sizes = [1000], strides = [1]} : vector<1024xf32> to vector<1000xf32>
    %broadcast_in_dim3A = vector.shape_cast %slice3A_15 : vector<1000xf32> to vector<1000x1xf32>
    %div3A = vector.broadcast %broadcast_in_dim3A : vector<1000x1xf32> to vector<1000x128xf32>
    %div3A_16 = arith.divf %slice3A, %div3A : vector<1000x128xf32>
    %get3A_17 = arith.constant 0 : index
    %get3A_18 = arith.constant 0 : index
    %get3A_19 = vector.load %arg2[%get3A_17, %get3A_18] : memref<1000x47xf32, #tpu.memory_space<vmem>>, vector<1000x47xf32>
    %get3A_20 = arith.constant 0 : index
    %get3A_21 = arith.constant 0 : index
    %get3A_22 = vector.load %arg3[%get3A_20, %get3A_21] : memref<128x47xf32, #tpu.memory_space<vmem>>, vector<128x47xf32>
    %dot_general3A = arith.constant dense<0.000000e+00> : vector<1000x47xf32>
    %dot_general3A_23 = tpu.matmul %div3A_16, %get3A_22, %dot_general3A {dimension_numbers = #tpu.dot_dimension_numbers<[1], [0], [0], [1], [0, 0, 1, 1], [], []>, transpose_lhs_hint = false} : vector<1000x128xf32>, vector<128x47xf32>, vector<1000x47xf32> -> vector<1000x47xf32>
    %add3A_24 = arith.addf %get3A_19, %dot_general3A_23 : vector<1000x47xf32>
    %swap3A = arith.constant 0 : index
    %swap3A_25 = arith.constant 0 : index
    %swap3A_26 = vector.load %arg4[%swap3A, %swap3A_25] : memref<1000x47xf32, #tpu.memory_space<vmem>>, vector<1000x47xf32>
    tpu.vector_store %arg4[%swap3A, %swap3A_25], %add3A_24 {strides = array<i32>} : memref<1000x47xf32, #tpu.memory_space<vmem>>, vector<1000x47xf32>,
    return
  }
}

</mosaic_0001>

<sc_bundles>
// kernel: kernel.6.cloned.1.call-start
scs
__scs_entry_jumppad:
0x0: {  	(pc) =	sbr.rel $0x88, $3  }
0x1: {  	(tag) =	ssettag $0x0;
	lr =	simm.s32 $0x1  }
0x2: {  	[smem:$0x3F96] =	sst lr;
	_ =	strace $0xD0000000  }
0x3: {  	_ = 	snop  }
0x4: {  	_ = 	snop  }
0x5: {  	_ = 	snop  }
0x6: {  	_ = 	snop  }
0x7: {  	_ = 	snop  }
__scs_overlays_trampoline_lowered:
0x8: {  	[smem:$0x3FA5] =	sst s0  }
0x9: {  	[smem:$0x3FA6] =	sst s1  }
0xa: {  	[smem:$0x3FA7] =	sst s2  }
0xb: {  	[smem:$0x3FA8] =	sst s3  }
0xc: {  	[smem:$0x3FA9] =	sst s4  }
0xd: {  	[smem:$0x3FAA] =	sst s5  }
0xe: {  	[smem:$0x3FAB] =	sst s6  }
0xf: {  	[smem:$0x3FAC] =	sst s7  }
0x10: {  	[smem:$0x3FAD] =	sst s8  }
0x11: {  	[smem:$0x3FAE] =	sst s9;
	s0 =	simm.s32 @!p0 $0x0  }
0x12: {  	s1 =	sld [smem:$0x3F94];
	s0 =	simm.s32 @p0 $0x1  }
0x13: {  	[smem:$0x3FAF] =	sst s0;
	s0 =	simm.s32 @!p1 $0x0  }
0x14: {  	s2 =	sld [smem:$0x3F93];
	s0 =	simm.s32 @p1 $0x1  }
0x15: {  	[smem:$0x3FB0] =	sst s0;
	s0 =	simm.s32 @!p2 $0x0  }
0x16: {  	s3 =	sld [smem:$0x3FDB];
	s0 =	simm.s32 @p2 $0x1  }
0x17: {  	s4 =	simm.s32 $0x1BF5;
	[smem:$0x3FB2] =	sst s0  }
0x18: {  	s0 =	sld [smem:$0x3F95];
	_ =	swait.ge [sflag:s4], $0x0  }
0x19: {  	s7 =	sld [smem:$0x3F96]  }
0x1a: {  	s8 =	sadd.s32 $0xFFFFE003, lr  }
0x1b: {  	s9 =	sadd.s32 $0xFFFFFEF7, lr;
	s5 =	simm.s32 $0xFFFFFFFF;
	p2 =	slt.u32 s8, $0xFFFFF086  }
0x1c: {  	p1 =	slt.u32 s9, $0xF7A;
	s5 =	simm.s32 @!p2 $0x0  }
0x1d: {  	s5 =	simm.s32 @p1 $0x1;
	p0 =	seq.s32 s7, s2  }
0x1e: {  	s7 =	smul.u32 @!p0 $0xF7A, s2;
	p2 =	seq.s32 @!p0 s5, $0x0  }
0x1f: {  	s9 =	smul.u32 $0xF7A, s1;
	s8 =	simm.s32 @!p0 $0x1BF5;
	p2 =	por !p2, p0  }
0x20: {  	[sflag:s8] =	ssyncset.s32 @!p0 $0xFFFFF086;
	s6 =	sadd.s32 @!p0 s3, s7;
	s7 =	simm.s32 @!p0 $0x108  }
0x21: {  	s3 =	sadd.s32 s3, s9;
	s6 =	sadd.s32 @!p0 $0x88, s6;
	s7 =	simm.s32 @p2 $0x1082  }
0x22: {  	[simem:s7], [sflag:s8] =	dma.local @!p0 [hbm:s6], $0xF7A  }
0x23: {  	s9 =	sor.u32 $0xD0000000, s2;
	s6 =	simm.s32 $0x108;
	_ =	swait.ge @!p0 [sflag:s8], $0x0  }
0x24: {  	s3 =	sadd.s32 $0x88, s3;
	s6 =	simm.s32 @!p1 $0x1082;
	[sflag:s4] =	ssyncset.s32 $0xFFFFF086  }
0x25: {  	[simem:s6], [sflag:s4] =	dma.local [hbm:s3], $0xF7A  }
0x26: {  	[smem:$0x3F96] =	sst s1;
	(tag) =	ssettag s2;
	_ =	strace s9  }
0x27: {  	s1 =	sld [smem:$0x3FA6]  }
0x28: {  	s2 =	sld [smem:$0x3FA7]  }
0x29: {  	s4 =	sld [smem:$0x3FA9]  }
0x2a: {  	p0 =	seq.s32 s5, $0x0;
	s5 =	sld [smem:$0x3FAA]  }
0x2b: {  	s6 =	sld [smem:$0x3FAB]  }
0x2c: {  	s7 =	sld [smem:$0x3FAC]  }
0x2d: {  	s3 =	simm.s32 $0x108;
	s8 =	sld [smem:$0x3FAD]  }
0x2e: {  	s3 =	simm.s32 @!p0 $0x1082;
	s9 =	sld [smem:$0x3FAE]  }
0x2f: {  	lr =	sadd.s32 s0, s3;
	s0 =	sld [smem:$0x3FA5]  }
0x30: {  	s3 =	sld [smem:$0x3FA8]  }
0x31: {  	[smem:$0x3FB1] =	sst s10  }
0x32: {  	s10 =	sld [smem:$0x3FAF];
	_ =	sdelay $0x3  }
0x33: {  	p0 =	seq.s32 s10, $0x1;
	s10 =	sld [smem:$0x3FB1];
	_ =	sdelay $0x3  }
0x34: {  	[smem:$0x3FB1] =	sst s10  }
0x35: {  	s10 =	sld [smem:$0x3FB0];
	_ =	sdelay $0x3  }
0x36: {  	p1 =	seq.s32 s10, $0x1;
	s10 =	sld [smem:$0x3FB1];
	_ =	sdelay $0x3  }
0x37: {  	[smem:$0x3FB1] =	sst s10  }
0x38: {  	s10 =	sld [smem:$0x3FB2]  }
0x39: {  	_ = 	snop;
	(pc) =	sbr.ind lr, $3  }
0x3a: {  	_ = 	snop  }
0x3b: {  	_ = 	snop  }
0x3c: {  	p2 =	seq.s32 s10, $0x1;
	s10 =	sld [smem:$0x3FB1]  }
0x3d: {  	_ =	shalt  }
0x3e: {  	_ =	shalt  }
0x3f: {  	_ =	shalt  }
0x40: {  	_ =	shalt  }
0x41: {  	_ =	shalt  }
0x42: {  	_ =	shalt  }
0x43: {  	_ =	shalt  }
0x44: {  	_ =	shalt  }
0x45: {  	_ =	shalt  }
0x46: {  	_ =	shalt  }
0x47: {  	_ =	shalt  }
0x48: {  	_ =	shalt  }
0x49: {  	_ =	shalt  }
0x4a: {  	_ =	shalt  }
0x4b: {  	_ =	shalt  }
0x4c: {  	_ =	shalt  }
0x4d: {  	_ =	shalt  }
0x4e: {  	_ =	shalt  }
0x4f: {  	_ =	shalt  }
0x50: {  	_ =	shalt  }
0x51: {  	_ =	shalt  }
0x52: {  	_ =	shalt  }
0x53: {  	_ =	shalt  }
0x54: {  	_ =	shalt  }
0x55: {  	_ =	shalt  }
0x56: {  	_ =	shalt  }
0x57: {  	_ =	shalt  }
0x58: {  	_ =	shalt  }
0x59: {  	_ =	shalt  }
0x5a: {  	_ =	shalt  }
0x5b: {  	_ =	shalt  }
0x5c: {  	_ =	shalt  }
0x5d: {  	_ =	shalt  }
0x5e: {  	_ =	shalt  }
0x5f: {  	_ =	shalt  }
0x60: {  	_ =	shalt  }
0x61: {  	_ =	shalt  }
0x62: {  	_ =	shalt  }
0x63: {  	_ =	shalt  }
0x64: {  	_ =	shalt  }
0x65: {  	_ =	shalt  }
0x66: {  	_ =	shalt  }
0x67: {  	_ =	shalt  }
0x68: {  	_ =	shalt  }
0x69: {  	_ =	shalt  }
0x6a: {  	_ =	shalt  }
0x6b: {  	_ =	shalt  }
0x6c: {  	_ =	shalt  }
0x6d: {  	_ =	shalt  }
0x6e: {  	_ =	shalt  }
0x6f: {  	_ =	shalt  }
0x70: {  	_ =	shalt  }
0x71: {  	_ =	shalt  }
0x72: {  	_ =	shalt  }
0x73: {  	_ =	shalt  }
0x74: {  	_ =	shalt  }
0x75: {  	_ =	shalt  }
0x76: {  	_ =	shalt  }
0x77: {  	_ =	shalt  }
0x78: {  	_ =	shalt  }
0x79: {  	_ =	shalt  }
0x7a: {  	_ =	shalt  }
0x7b: {  	_ =	shalt  }
0x7c: {  	_ =	shalt  }
0x7d: {  	_ =	shalt  }
0x7e: {  	_ =	shalt  }
0x7f: {  	_ =	shalt  }
0x80: {  	_ =	shalt  }
0x81: {  	_ =	shalt  }
0x82: {  	_ =	shalt  }
0x83: {  	_ =	shalt  }
0x84: {  	_ =	shalt  }
0x85: {  	_ =	shalt  }
0x86: {  	_ =	shalt  }
0x87: {  	_ =	shalt  }
.Lfunc_end0:
.L_simem_size_0:
called_computation_lowered:
.L_overlay_start_0:
0x88: {  	s2 =	sld [smem:$0x3FD9]  }
0x89: {  	s3 =	sld [smem:$0x3FFE];
	_ =	sdelay $0x1  }
0x8a: {  	s1 =	srdreg.scid  }
0x8b: {  	s0 =	sand.u32 $0x1, s1  }
0x8c: {  	s17 =	sshll.u32 s0, $0xA;
	s2 =	sadd.s32 s3, s2  }
0x8d: {  	s2 =	sadd.s32 s2, s17  }
0x8e: {  	[smem:$0x3FBD] =	sst s2  }
0x8f: {  	_ = 	snop  }
0x90: {  	s2 =	sld [smem:$0x3FC9];
	(tm) =	ssettm $0x1  }
0x91: {  	s18 =	sld [smem:$0x3FFB];
	_ =	sdelay $0x3  }
0x92: {  	_ =	strace s18  }
0x93: {  	s3 =	sld [smem:$0x3FFC];
	_ =	sdelay $0x3  }
0x94: {  	_ =	strace s3  }
0x95: {  	s3 =	sld [smem:$0x3FFD];
	_ =	sdelay $0x3  }
0x96: {  	_ =	strace s3  }
0x97: {  	_ =	strace $0x8FFFFFFF  }
0x98: {  	s19 =	sld [smem:$0x3FDB];
	_ =	sdelay $0x1  }
0x99: {  	s4 =	simm.s32 $_scs_section_size  }
0x9a: {  	s5 =	simm.s32 $_size__tile_overlayer_lowered;
	s6 =	simm.s32 $_tile_overlayer_lowered  }
0x9b: {  	s22 =	simm.s32 $0x1BFF;
	s21 =	sshll.u32 s6, $0x1;
	s3 =	sadd.s32 s4, s19  }
0x9c: {  	s7 =	simm.s32 $0x0;
	s20 =	sshll.u32 s5, $0x1;
	s5 =	sadd.s32 s21, s3  }
0x9d: {  	[timem:s7], [sflag:s22] =	dma.local [hbm:s5], s20  }
0x9e: {  	_ =	swait.ge [sflag:s22], s20  }
0x9f: {  	s4 =	ssub.s32 $0x0, s20;
	[sflag:s22] =	ssyncset.done $0x0  }
0xa0: {  	[sflag:s22] =	ssyncadd.s32 s4;
	_ =	sdelay $0x1  }
0xa1: {  	s23 =	simm.s32 $0x1B8B  }
0xa2: {  	_ =	swait.ge [sflag:s23], $0x1  }
0xa3: {  	[sflag:s23] =	ssyncset.done $0x0  }
0xa4: {  	s25 =	simm.s32 $0x1B8E;
	s24 =	sld [smem:$0x3FFE];
	[sflag:s23] =	ssyncadd.s32 $0xFFFFFFFF  }
0xa5: {  	s26 =	simm.s32 $execute0_lowered;
	[smem:$0x3FD2] =	sst s25  }
0xa6: {  	s5 =	sshll.u32 s26, $0x1;
	_ =	strace $0x80000046;
	[dreg:$0x1] =	wrdreg $0xFFFFFFFF  }
0xa7: {  	s28 =	simm.s32 $_size_execute0_lowered;
	s3 =	sadd.s32 s3, s5;
	[dreg:$0x0] =	wrdreg $0x0  }
0xa8: {  	s5 =	sshll.u32 s28, $0x1;
	[dreg:$0x2] =	wrdreg s3  }
0xa9: {  	[dreg:$0x3] =	wrdreg s5  }
0xaa: {  	[dreg:$0x4] =	wrdreg $0xC0  }
0xab: {  	_ =	task [dreg:s7], $0x5FFFF  }
0xac: {  	[dreg:$0x1] =	wrdreg $0xFFFFFFFF  }
0xad: {  	[dreg:$0x0] =	wrdreg $0x60  }
0xae: {  	[dreg:$0x2] =	wrdreg s2  }
0xaf: {  	[dreg:$0x3] =	wrdreg s24  }
0xb0: {  	[dreg:$0x4] =	wrdreg $0xE4000  }
0xb1: {  	[dreg:$0x5] =	wrdreg $0x9  }
0xb2: {  	_ =	task.clear_ibuf [dreg:s7], $0x6FFFF;
	_ =	strace $0x90000046  }
0xb3: {  	s29 =	simm.s32 $0x9;
	_ =	strace $0x80000048  }
0xb4: {  	_ =	swait.ge [sflag:s29], $0x1  }
0xb5: {  	[sflag:s29] =	ssyncadd.s32 $0xFFFFFFFF  }
0xb6: {  	_ =	strace $0x90000048  }
0xb7: {  	_ =	sfence  }
0xb8: {  	s30 =	sld [smem:$0x0];
	_ =	sdelay $0x2  }
0xb9: {  	s31 =	sshll.u32 s1, $0xD;
	s1 =	sshrl.u32 s1, $0x2  }
0xba: {  	s3 =	sand.u32 $0x4000, s31;
	s1 =	sadd.s32 s1, s30  }
0xbb: {  	s0 =	sor.u32 s3, s0;
	s1 =	sshll.u32 s1, $0x11  }
0xbc: {  	s0 =	sor.u32 s1, s0  }
0xbd: {  	s0 =	sadd.s32 $0x8F2B, s0  }
0xbe: {  	[sflag:s0] =	ssyncadd.remote.s32 $0x1  }
0xbf: {  	_ =	sfence.sel $0xFFFF  }
0xc0: {  	[dreg:$0x0] =	wrdreg $0xFFFFFFFF;
	(pc) =	sbr.abs _section_cstart, $3  }
0xc1: {  	[dreg:$0x1] =	wrdreg $0xFFFFFFFF  }
0xc2: {  	_ =	task.clear_ibuf [dreg:s7], $0x2FFFF;
	_ =	strace $0x9FFFFFFF  }
0xc3: {  	(tm) =	ssettm $0x7FFFFFFF  }
tec
execute0_lowered:
.L_overlay_start_1:
0x0: {  	(tag) =	ssettag $0x1  }
0x1: {  	s1 =	rddreg [dreg:$0x0]  }
0x2: {  	s5 =	rddreg [dreg:$0x1]  }
0x3: {  	s2 =	rddreg [dreg:$0x2];
	s3 =	srdreg.scid  }
0x4: {  	s0 =	rddreg [dreg:$0x3];
	s4 =	simm.s32 $0x0;
	s14 =	simm.s32 $0x2800  }
0x5: {  	s15 =	simm.s32 $0x5000;
	s16 =	simm.s32 $0x80;
	s17 =	simm.s32 $0xD000  }
0x6: {  	s18 =	simm.s32 $0x1;
	s19 =	simm.s32 $0x9000;
	s20 =	simm.s32 $0x2  }
0x7: {  	s21 =	simm.s32 $0x2780;
	s22 =	simm.s32 $0x4F00;
	s23 =	simm.s32 $0x4F80  }
0x8: {  	s24 =	simm.s32 $0x400;
	s6 =	sand.u32 $0x1, s3;
	s3 =	stileid.u32  }
0x9: {  	s25 =	simm.s32 $0x0;
	[smem:$0x7FF] =	sst s4;
	s8 =	smul.u32 $0xA0000, s6  }
0xa: {  	s7 =	sshll.u32 s6, $0x4;
	s9 =	smul.u32 $0xA000, s3;
	_ =	strace $0x80000047  }
0xb: {  	s28 =	sshll.u32 s3, $0x7;
	s29 =	smul.u32 $0x28000, s3;
	s7 =	sor.u32 s3, s7  }
0xc: {  	s6 =	ssub.s32 $0x2, s6;
	s10 =	smul.u32 $0x500, s7;
	s7 =	sshrl.u32 s7, $0x3  }
0xd: {  	s30 =	sshrl.u32 s6, $0x1;
	s8 =	sadd.s32 s9, s8;
	s7 =	smul.u32 $0xA000, s7  }
0xe: {  	s9 =	sand.u32 $0x380, s28;
	s13 =	ssub.s32 s6, s30;
	s31 =	sshrl.u32 s29, $0x2  }
0xf: {  	s8 =	sshrl.u32 s8, $0x3;
	s10 =	sadd.s32 s10, s5;
	s7 =	sor.u32 s9, s7  }
0x10: {  	s11 =	sadd.s32 s8, s5;
	s6 =	sadd.s32 $0xD600, s10;
	s7 =	sshrl.u32 s7, $0x3  }
0x11: {  	s11 =	sadd.s32 $0x17600, s11;
	s12 =	sadd.s32 s7, s5;
	s7 =	sadd.s32 s31, s2  }
0x12: {  	s5 =	sadd.s32 $0x3600, s10;
	s8 =	sadd.s32 $0x4000, s7;
	s9 =	sadd.s32 $0x8000, s7  }
0x13: {  	v0 =	vimm.f32 $0.0e+00;
	v1 =	vimm.f32 $1.000000000e+00;
	s10 =	sadd.s32 $0x3F600, s12;
	s12 =	smax.u32 s13, $0x1;
	s13 =	simm.s32 $0x3  }
.LBB2_1:
0x14: {  	[tilespmem:s4], [sflag:$0x3] =	stream.linear.gather [hbm4b:s5+s4], $0x2800, $0x38;
	[tilespmem:$0x18400] =	vst v63  }
0x15: {  	_ =	swait.ge [sflag:s13], $0x2800  }
0x16: {  	[sflag:s13] =	ssyncset.done $0x0  }
0x17: {  	[sflag:s13] =	ssyncadd.s32 $0xFFFFD800  }
0x18: {  	[tilespmem:s14], [sflag:$0x3] =	stream.linear.gather [hbm4b:s6+s4], $0x2800, $0x38;
	[tilespmem:$0x18400] =	vst v63  }
0x19: {  	_ =	swait.ge [sflag:s13], $0x2800  }
0x1a: {  	[sflag:s13] =	ssyncset.done $0x0  }
0x1b: {  	s26 =	simm.s32 $0x0;
	s28 =	simm.s32 $0x200;
	[sflag:s13] =	ssyncadd.s32 $0xFFFFD800  }
.LBB2_2:
0x1c: {  	p0 =	sne.s32 s28, $0xFE00;
	[tilespmem:s26+$0x5070] =	vst v0  }
0x1d: {  	[tilespmem:s26+$0x5000] =	vst v0  }
0x1e: {  	[tilespmem:s26+$0x5010] =	vst v0  }
.Ltmp0:
0x1f: {  	[tilespmem:s26+$0x5020] =	vst v0;
	(pc) =	sbr.rel @p0 .LBB2_2-.Ltmp0, $4  }
0x20: {  	[tilespmem:s26+$0x5030] =	vst v0  }
0x21: {  	[tilespmem:s26+$0x5040] =	vst v0  }
0x22: {  	[tilespmem:s26+$0x5050] =	vst v0  }
0x23: {  	[tilespmem:s26+$0x5060] =	vst v0;
	s26 =	sshra.s32 s28, $0x2;
	s28 =	sadd.s32 $0x200, s28  }
0x24: {  	[tilespmem:s26+$0x5070] =	vst v0  }
0x25: {  	[tilespmem:s26+$0x5000] =	vst v0  }
0x26: {  	[tilespmem:s26+$0x5010] =	vst v0  }
0x27: {  	[tilespmem:s26+$0x5020] =	vst v0  }
0x28: {  	[tilespmem:s26+$0x5030] =	vst v0  }
0x29: {  	[tilespmem:s26+$0x5040] =	vst v0  }
0x2a: {  	[tilespmem:s26+$0x5050] =	vst v0  }
0x2b: {  	[tilespmem:s26+$0x5060] =	vst v0  }
0x2c: {  	[spmem:s7] =	stream.linear.scatter [tilespmem:s15], [sflag:$0x3], $0x4000, $0x38;
	[tilespmem:$0x18400] =	vst v63  }
0x2d: {  	_ =	swait.ge [sflag:s13], $0x4000  }
0x2e: {  	[sflag:s13] =	ssyncset.done $0x0  }
0x2f: {  	[sflag:s13] =	ssyncadd.s32 $0xFFFFC000  }
0x30: {  	[spmem:s8] =	stream.linear.scatter [tilespmem:s15], [sflag:$0x3], $0x4000, $0x38;
	[tilespmem:$0x18400] =	vst v63  }
0x31: {  	_ =	swait.ge [sflag:s13], $0x4000  }
0x32: {  	[sflag:s13] =	ssyncset.done $0x0  }
0x33: {  	[sflag:s13] =	ssyncadd.s32 $0xFFFFC000  }
0x34: {  	[spmem:s9] =	stream.linear.scatter [tilespmem:s15], [sflag:$0x3], $0x2000, $0x38;
	[tilespmem:$0x18400] =	vst v63  }
0x35: {  	_ =	swait.ge [sflag:s13], $0x2000  }
0x36: {  	[sflag:s13] =	ssyncset.done $0x0  }
0x37: {  	s26 =	simm.s32 $0x40;
	s28 =	simm.s32 $0x0;
	[sflag:s13] =	ssyncadd.s32 $0xFFFFE000  }
.LBB2_4:
0x38: {  	p0 =	sne.s32 s26, $0x4FC0;
	[tilespmem:s28+$0xD000] =	vst v0;
	s28 =	smov.u32 s26;
	s26 =	sadd.s32 $0x40, s26  }
.Ltmp1:
0x39: {  	(pc) =	sbr.rel @p0 .LBB2_4-.Ltmp1, $2  }
0x3a: {  	_ =	sdelay $0x2  }
0x3b: {  	s28 =	sshra.s32 s28, $0x2  }
0x3c: {  	[tilespmem:s28+$0xD000] =	vst v0  }
0x3d: {  	s26 =	simm.s32 $0x0;
	[bflag:$0x0] =	sbarrier.arrive $0xFFFF  }
0x3e: {  	[tilespmem:s15], [sflag:$0x1] =	stream.indirect.gather [hbm4b:s1+s16], $0x80, s26, s16, $0xb8;
	[tilespmem:$0x18400] =	vst v63  }
0x3f: {  	v2 =	vld [tilespmem:$0x2800];
	_ =	sdelay $0x7  }
0x40: {  	[tilespmem:v2+s17+$0x0] =	vst.idx.add.f32.msk $0xffff, v1  }
0x41: {  	v2 =	vld [tilespmem:$0x2810];
	_ =	sdelay $0x7  }
0x42: {  	[tilespmem:v2+s17+$0x0] =	vst.idx.add.f32.msk $0xffff, v1  }
0x43: {  	v2 =	vld [tilespmem:$0x2820];
	_ =	sdelay $0x7  }
0x44: {  	[tilespmem:v2+s17+$0x0] =	vst.idx.add.f32.msk $0xffff, v1  }
0x45: {  	v2 =	vld [tilespmem:$0x2830];
	_ =	sdelay $0x7  }
0x46: {  	[tilespmem:v2+s17+$0x0] =	vst.idx.add.f32.msk $0xffff, v1  }
0x47: {  	v2 =	vld [tilespmem:$0x2840];
	_ =	sdelay $0x7  }
0x48: {  	[tilespmem:v2+s17+$0x0] =	vst.idx.add.f32.msk $0xffff, v1  }
0x49: {  	v2 =	vld [tilespmem:$0x2850];
	_ =	sdelay $0x7  }
0x4a: {  	[tilespmem:v2+s17+$0x0] =	vst.idx.add.f32.msk $0xffff, v1  }
0x4b: {  	v2 =	vld [tilespmem:$0x2860];
	_ =	sdelay $0x7  }
0x4c: {  	[tilespmem:v2+s17+$0x0] =	vst.idx.add.f32.msk $0xffff, v1  }
0x4d: {  	v2 =	vld [tilespmem:$0x2870];
	_ =	sdelay $0x7  }
0x4e: {  	[tilespmem:v2+s17+$0x0] =	vst.idx.add.f32.msk $0xffff, v1  }
.LBB2_6:
0x4f: {  	_ =	swait.ge [sflag:s18], $0x4000  }
0x50: {  	s28 =	sshra.s32 s26, $0x2;
	[sflag:s18] =	ssyncset.done $0x0  }
0x51: {  	s29 =	sadd.s32 $0x80, s28;
	[sflag:s18] =	ssyncadd.s32 $0xFFFFC000  }
0x52: {  	[tilespmem:s19], [sflag:$0x2] =	stream.indirect.gather [hbm4b:s1+s16], $0x80, s29, s16, $0xb8;
	[tilespmem:$0x18400] =	vst v63  }
0x53: {  	v2 =	vld [tilespmem:s28+$0x2880];
	_ =	sdelay $0x7  }
0x54: {  	[tilespmem:v2+s17+$0x0] =	vst.idx.add.f32.msk $0xffff, v1  }
0x55: {  	v2 =	vld [tilespmem:s28+$0x2890];
	_ =	sdelay $0x7  }
0x56: {  	[tilespmem:v2+s17+$0x0] =	vst.idx.add.f32.msk $0xffff, v1  }
0x57: {  	v2 =	vld [tilespmem:s28+$0x28A0];
	_ =	sdelay $0x7  }
0x58: {  	[tilespmem:v2+s17+$0x0] =	vst.idx.add.f32.msk $0xffff, v1  }
0x59: {  	v2 =	vld [tilespmem:s28+$0x28B0];
	_ =	sdelay $0x7  }
0x5a: {  	[tilespmem:v2+s17+$0x0] =	vst.idx.add.f32.msk $0xffff, v1  }
0x5b: {  	v2 =	vld [tilespmem:s28+$0x28C0];
	_ =	sdelay $0x7  }
0x5c: {  	[tilespmem:v2+s17+$0x0] =	vst.idx.add.f32.msk $0xffff, v1  }
0x5d: {  	v2 =	vld [tilespmem:s28+$0x28D0];
	_ =	sdelay $0x7  }
0x5e: {  	[tilespmem:v2+s17+$0x0] =	vst.idx.add.f32.msk $0xffff, v1  }
0x5f: {  	v2 =	vld [tilespmem:s28+$0x28E0];
	_ =	sdelay $0x7  }
0x60: {  	[tilespmem:v2+s17+$0x0] =	vst.idx.add.f32.msk $0xffff, v1  }
0x61: {  	v2 =	vld [tilespmem:s28+$0x28F0];
	_ =	sdelay $0x7  }
0x62: {  	s30 =	sadd.s32 $0x2800, s28;
	[tilespmem:v2+s17+$0x0] =	vst.idx.add.f32.msk $0xffff, v1  }
0x63: {  	[spmem:s2] =	stream.indirect.scatter.add.f32 [tilespmem:s15], [sflag:$0x3], $0x80, s30, s16, $0xb8;
	[tilespmem:$0x18400] =	vst v63  }
0x64: {  	_ =	swait.ge [sflag:s13], $0x4000  }
0x65: {  	[sflag:s13] =	ssyncset.done $0x0  }
0x66: {  	[sflag:s13] =	ssyncadd.s32 $0xFFFFC000  }
0x67: {  	_ =	swait.ge [sflag:s20], $0x4000  }
0x68: {  	[sflag:s20] =	ssyncset.done $0x0  }
0x69: {  	s31 =	sadd.s32 $0x100, s28;
	[sflag:s20] =	ssyncadd.s32 $0xFFFFC000  }
0x6a: {  	[tilespmem:s15], [sflag:$0x1] =	stream.indirect.gather [hbm4b:s1+s16], $0x80, s31, s16, $0xb8;
	[tilespmem:$0x18400] =	vst v63  }
0x6b: {  	v2 =	vld [tilespmem:s28+$0x2900];
	_ =	sdelay $0x7  }
0x6c: {  	[tilespmem:v2+s17+$0x0] =	vst.idx.add.f32.msk $0xffff, v1  }
0x6d: {  	v2 =	vld [tilespmem:s28+$0x2910];
	_ =	sdelay $0x7  }
0x6e: {  	[tilespmem:v2+s17+$0x0] =	vst.idx.add.f32.msk $0xffff, v1  }
0x6f: {  	v2 =	vld [tilespmem:s28+$0x2920];
	_ =	sdelay $0x7  }
0x70: {  	[tilespmem:v2+s17+$0x0] =	vst.idx.add.f32.msk $0xffff, v1  }
0x71: {  	v2 =	vld [tilespmem:s28+$0x2930];
	_ =	sdelay $0x7  }
0x72: {  	[tilespmem:v2+s17+$0x0] =	vst.idx.add.f32.msk $0xffff, v1  }
0x73: {  	v2 =	vld [tilespmem:s28+$0x2940];
	_ =	sdelay $0x7  }
0x74: {  	[tilespmem:v2+s17+$0x0] =	vst.idx.add.f32.msk $0xffff, v1  }
0x75: {  	v2 =	vld [tilespmem:s28+$0x2950];
	_ =	sdelay $0x7  }
0x76: {  	[tilespmem:v2+s17+$0x0] =	vst.idx.add.f32.msk $0xffff, v1  }
0x77: {  	v2 =	vld [tilespmem:s28+$0x2960];
	_ =	sdelay $0x7  }
0x78: {  	[tilespmem:v2+s17+$0x0] =	vst.idx.add.f32.msk $0xffff, v1  }
0x79: {  	v2 =	vld [tilespmem:s28+$0x2970];
	_ =	sdelay $0x6  }
0x7a: {  	p0 =	sne.s32 s26, $0x9800  }
.Ltmp2:
0x7b: {  	s28 =	sadd.s32 $0x2880, s28;
	[tilespmem:v2+s17+$0x0] =	vst.idx.add.f32.msk $0xffff, v1;
	(pc) =	sbr.rel @p0 .LBB2_6-.Ltmp2, $4  }
0x7c: {  	[spmem:s2] =	stream.indirect.scatter.add.f32 [tilespmem:s19], [sflag:$0x3], $0x80, s28, s16, $0xb8;
	[tilespmem:$0x18400] =	vst v63  }
0x7d: {  	_ =	swait.ge [sflag:s13], $0x4000  }
0x7e: {  	[sflag:s13] =	ssyncset.done $0x0  }
0x7f: {  	s26 =	sadd.s32 $0x400, s26;
	[sflag:s13] =	ssyncadd.s32 $0xFFFFC000  }
0x80: {  	_ =	swait.ge [sflag:s18], $0x4000  }
0x81: {  	[sflag:s18] =	ssyncset.done $0x0  }
0x82: {  	[sflag:s18] =	ssyncadd.s32 $0xFFFFC000  }
0x83: {  	[tilespmem:s19], [sflag:$0x2] =	stream.indirect.gather [hbm4b:s1+s16], $0x80, s21, s16, $0xb8;
	[tilespmem:$0x18400] =	vst v63  }
0x84: {  	v2 =	vld [tilespmem:$0x4F80];
	_ =	sdelay $0x7  }
0x85: {  	[tilespmem:v2+s17+$0x0] =	vst.idx.add.f32.msk $0xffff, v1  }
0x86: {  	v2 =	vld [tilespmem:$0x4F90];
	_ =	sdelay $0x7  }
0x87: {  	[tilespmem:v2+s17+$0x0] =	vst.idx.add.f32.msk $0xffff, v1  }
0x88: {  	v2 =	vld [tilespmem:$0x4FA0];
	_ =	sdelay $0x7  }
0x89: {  	[tilespmem:v2+s17+$0x0] =	vst.idx.add.f32.msk $0xffff, v1  }
0x8a: {  	v2 =	vld [tilespmem:$0x4FB0];
	_ =	sdelay $0x7  }
0x8b: {  	[tilespmem:v2+s17+$0x0] =	vst.idx.add.f32.msk $0xffff, v1  }
0x8c: {  	v2 =	vld [tilespmem:$0x4FC0];
	_ =	sdelay $0x7  }
0x8d: {  	[tilespmem:v2+s17+$0x0] =	vst.idx.add.f32.msk $0xffff, v1  }
0x8e: {  	v2 =	vld [tilespmem:$0x4FD0];
	_ =	sdelay $0x7  }
0x8f: {  	[tilespmem:v2+s17+$0x0] =	vst.idx.add.f32.msk $0xffff, v1  }
0x90: {  	v2 =	vld [tilespmem:$0x4FE0];
	_ =	sdelay $0x7  }
0x91: {  	[tilespmem:v2+s17+$0x0] =	vst.idx.add.f32.msk $0xffff, v1  }
0x92: {  	v2 =	vld [tilespmem:$0x4FF0];
	_ =	sdelay $0x7  }
0x93: {  	[tilespmem:v2+s17+$0x0] =	vst.idx.add.f32.msk $0xffff, v1  }
0x94: {  	[spmem:s2] =	stream.indirect.scatter.add.f32 [tilespmem:s15], [sflag:$0x3], $0x80, s22, s16, $0xb8;
	[tilespmem:$0x18400] =	vst v63  }
0x95: {  	_ =	swait.ge [sflag:s13], $0x4000  }
0x96: {  	[sflag:s13] =	ssyncset.done $0x0  }
0x97: {  	[sflag:s13] =	ssyncadd.s32 $0xFFFFC000  }
0x98: {  	_ =	swait.ge [sflag:s20], $0x4000  }
0x99: {  	[sflag:s20] =	ssyncset.done $0x0  }
0x9a: {  	[sflag:s20] =	ssyncadd.s32 $0xFFFFC000  }
0x9b: {  	[tilespmem:s15], [sflag:$0x1] =	stream.indirect.gather [hbm4b:s1+s16], $0x80, s21, s16, $0xb8;
	[tilespmem:$0x18400] =	vst v63  }
0x9c: {  	_ = 	snop  }
0x9d: {  	[spmem:s2] =	stream.indirect.scatter.add.f32 [tilespmem:s19], [sflag:$0x3], $0x80, s23, s16, $0xb8;
	[tilespmem:$0x18400] =	vst v63  }
0x9e: {  	_ =	swait.ge [sflag:s13], $0x4000  }
0x9f: {  	[sflag:s13] =	ssyncset.done $0x0  }
0xa0: {  	[sflag:s13] =	ssyncadd.s32 $0xFFFFC000  }
0xa1: {  	_ =	swait.ge [sflag:s18], $0x4000  }
0xa2: {  	[sflag:s18] =	ssyncset.done $0x0  }
0xa3: {  	[sflag:s18] =	ssyncadd.s32 $0xFFFFC000  }
0xa4: {  	[hbm4b:s10+s16] =	stream.strided.scatter [tilespmem:s17], [sflag:$0x3], $0x1400, s24, s16, $0x38;
	[tilespmem:$0x18400] =	vst v63  }
0xa5: {  	_ =	swait.ge [sflag:s13], $0x1400  }
0xa6: {  	s26 =	sshll.u32 s3, $0x6;
	s25 =	sadd.s32 $0x1, s25;
	[sflag:s13] =	ssyncset.done $0x0  }
0xa7: {  	s28 =	sshrl.u32 s7, $0x3;
	p0 =	sne.s32 s25, s12;
	[sflag:s13] =	ssyncadd.s32 $0xFFFFEC00  }
.Ltmp3:
0xa8: {  	s26 =	sor.u32 $0x1C03, s26;
	[bflag:$0x0] =	sbarrier.arrive $0xFFFF;
	(pc) =	sbr.rel @p0 .LBB2_1-.Ltmp3, $4  }
0xa9: {  	[hbm:s11], [sflag:s26] =	dma.local [spmem:s28], $0x1400  }
0xaa: {  	_ =	swait.ge [sflag:s13], $0x1400  }
0xab: {  	[sflag:s13] =	ssyncset.done $0x0  }
0xac: {  	[sflag:s13] =	ssyncadd.s32 $0xFFFFEC00  }
0xad: {  	_ =	sfence.sel $0x180000  }
0xae: {  	[bflag:$0x0] =	sbarrier.arrive $0xFFFF  }
0xaf: {  	p0 =	sne.s32 s3, $0x0;
	_ =	strace $0x90000047  }
0xb0: {  	s0 =	sadd.s32 @!p0 $0x100000, s0;
	[bflag:$0x2] =	sbarrier.arrive $0xFFFF  }
0xb1: {  	[sflag:s0] =	ssyncadd.tile.s32 @!p0 $0x1;
	_ =	shalt  }
.Lfunc_end2:
_tile_overlayer_lowered:
.L_overlay_start_2:
0xb2: {  	(tag) =	ssettag $0x2  }
0xb3: {  	s0 =	rddreg [dreg:$0x0];
	s2 =	stileid.u32  }
0xb4: {  	s1 =	rddreg [dreg:$0x1];
	p0 =	sne.s32 s2, $0x0  }
0xb5: {  	s3 =	rddreg [dreg:$0x2];
	[bflag:$0x3] =	sbarrier.arrive $0xFFFF;
	s2 =	simm.s32 @!p0 $0x1C03  }
0xb6: {  	[timem:s3], [sflag:s2] =	dma.local @!p0 [hbm:s0], s1  }
0xb7: {  	s0 =	simm.s32 @!p0 $0x3  }
0xb8: {  	_ =	swait.ge @!p0 [sflag:s0], s1  }
0xb9: {  	s1 =	ssub.s32 @!p0 $0x0, s1;
	[sflag:s0] =	ssyncset.done @!p0 $0x0  }
0xba: {  	[sflag:s0] =	ssyncadd.s32 @!p0 s1  }
0xbb: {  	[bflag:$0x3] =	sbarrier.arrive $0xFFFF  }
0xbc: {  	_ =	shalt  }

// kernel: kernel.9.cloned.1.call-start
scs
__scs_entry_jumppad:
0x0: {  	(pc) =	sbr.rel $0x88, $3  }
0x1: {  	(tag) =	ssettag $0x0;
	lr =	simm.s32 $0x1  }
0x2: {  	[smem:$0x3F96] =	sst lr;
	_ =	strace $0xD0000000  }
0x3: {  	_ = 	snop  }
0x4: {  	_ = 	snop  }
0x5: {  	_ = 	snop  }
0x6: {  	_ = 	snop  }
0x7: {  	_ = 	snop  }
__scs_overlays_trampoline_lowered:
0x8: {  	[smem:$0x3FA5] =	sst s0  }
0x9: {  	[smem:$0x3FA6] =	sst s1  }
0xa: {  	[smem:$0x3FA7] =	sst s2  }
0xb: {  	[smem:$0x3FA8] =	sst s3  }
0xc: {  	[smem:$0x3FA9] =	sst s4  }
0xd: {  	[smem:$0x3FAA] =	sst s5  }
0xe: {  	[smem:$0x3FAB] =	sst s6  }
0xf: {  	[smem:$0x3FAC] =	sst s7  }
0x10: {  	[smem:$0x3FAD] =	sst s8  }
0x11: {  	[smem:$0x3FAE] =	sst s9;
	s0 =	simm.s32 @!p0 $0x0  }
0x12: {  	s1 =	sld [smem:$0x3F94];
	s0 =	simm.s32 @p0 $0x1  }
0x13: {  	[smem:$0x3FAF] =	sst s0;
	s0 =	simm.s32 @!p1 $0x0  }
0x14: {  	s2 =	sld [smem:$0x3F93];
	s0 =	simm.s32 @p1 $0x1  }
0x15: {  	[smem:$0x3FB0] =	sst s0;
	s0 =	simm.s32 @!p2 $0x0  }
0x16: {  	s3 =	sld [smem:$0x3FDB];
	s0 =	simm.s32 @p2 $0x1  }
0x17: {  	s4 =	simm.s32 $0x1BF5;
	[smem:$0x3FB2] =	sst s0  }
0x18: {  	s0 =	sld [smem:$0x3F95];
	_ =	swait.ge [sflag:s4], $0x0  }
0x19: {  	s7 =	sld [smem:$0x3F96]  }
0x1a: {  	s8 =	sadd.s32 $0xFFFFE003, lr  }
0x1b: {  	s9 =	sadd.s32 $0xFFFFFEF7, lr;
	s5 =	simm.s32 $0xFFFFFFFF;
	p2 =	slt.u32 s8, $0xFFFFF086  }
0x1c: {  	p1 =	slt.u32 s9, $0xF7A;
	s5 =	simm.s32 @!p2 $0x0  }
0x1d: {  	s5 =	simm.s32 @p1 $0x1;
	p0 =	seq.s32 s7, s2  }
0x1e: {  	s7 =	smul.u32 @!p0 $0xF7A, s2;
	p2 =	seq.s32 @!p0 s5, $0x0  }
0x1f: {  	s9 =	smul.u32 $0xF7A, s1;
	s8 =	simm.s32 @!p0 $0x1BF5;
	p2 =	por !p2, p0  }
0x20: {  	[sflag:s8] =	ssyncset.s32 @!p0 $0xFFFFF086;
	s6 =	sadd.s32 @!p0 s3, s7;
	s7 =	simm.s32 @!p0 $0x108  }
0x21: {  	s3 =	sadd.s32 s3, s9;
	s6 =	sadd.s32 @!p0 $0x88, s6;
	s7 =	simm.s32 @p2 $0x1082  }
0x22: {  	[simem:s7], [sflag:s8] =	dma.local @!p0 [hbm:s6], $0xF7A  }
0x23: {  	s9 =	sor.u32 $0xD0000000, s2;
	s6 =	simm.s32 $0x108;
	_ =	swait.ge @!p0 [sflag:s8], $0x0  }
0x24: {  	s3 =	sadd.s32 $0x88, s3;
	s6 =	simm.s32 @!p1 $0x1082;
	[sflag:s4] =	ssyncset.s32 $0xFFFFF086  }
0x25: {  	[simem:s6], [sflag:s4] =	dma.local [hbm:s3], $0xF7A  }
0x26: {  	[smem:$0x3F96] =	sst s1;
	(tag) =	ssettag s2;
	_ =	strace s9  }
0x27: {  	s1 =	sld [smem:$0x3FA6]  }
0x28: {  	s2 =	sld [smem:$0x3FA7]  }
0x29: {  	s4 =	sld [smem:$0x3FA9]  }
0x2a: {  	p0 =	seq.s32 s5, $0x0;
	s5 =	sld [smem:$0x3FAA]  }
0x2b: {  	s6 =	sld [smem:$0x3FAB]  }
0x2c: {  	s7 =	sld [smem:$0x3FAC]  }
0x2d: {  	s3 =	simm.s32 $0x108;
	s8 =	sld [smem:$0x3FAD]  }
0x2e: {  	s3 =	simm.s32 @!p0 $0x1082;
	s9 =	sld [smem:$0x3FAE]  }
0x2f: {  	lr =	sadd.s32 s0, s3;
	s0 =	sld [smem:$0x3FA5]  }
0x30: {  	s3 =	sld [smem:$0x3FA8]  }
0x31: {  	[smem:$0x3FB1] =	sst s10  }
0x32: {  	s10 =	sld [smem:$0x3FAF];
	_ =	sdelay $0x3  }
0x33: {  	p0 =	seq.s32 s10, $0x1;
	s10 =	sld [smem:$0x3FB1];
	_ =	sdelay $0x3  }
0x34: {  	[smem:$0x3FB1] =	sst s10  }
0x35: {  	s10 =	sld [smem:$0x3FB0];
	_ =	sdelay $0x3  }
0x36: {  	p1 =	seq.s32 s10, $0x1;
	s10 =	sld [smem:$0x3FB1];
	_ =	sdelay $0x3  }
0x37: {  	[smem:$0x3FB1] =	sst s10  }
0x38: {  	s10 =	sld [smem:$0x3FB2]  }
0x39: {  	_ = 	snop;
	(pc) =	sbr.ind lr, $3  }
0x3a: {  	_ = 	snop  }
0x3b: {  	_ = 	snop  }
0x3c: {  	p2 =	seq.s32 s10, $0x1;
	s10 =	sld [smem:$0x3FB1]  }
0x3d: {  	_ =	shalt  }
0x3e: {  	_ =	shalt  }
0x3f: {  	_ =	shalt  }
0x40: {  	_ =	shalt  }
0x41: {  	_ =	shalt  }
0x42: {  	_ =	shalt  }
0x43: {  	_ =	shalt  }
0x44: {  	_ =	shalt  }
0x45: {  	_ =	shalt  }
0x46: {  	_ =	shalt  }
0x47: {  	_ =	shalt  }
0x48: {  	_ =	shalt  }
0x49: {  	_ =	shalt  }
0x4a: {  	_ =	shalt  }
0x4b: {  	_ =	shalt  }
0x4c: {  	_ =	shalt  }
0x4d: {  	_ =	shalt  }
0x4e: {  	_ =	shalt  }
0x4f: {  	_ =	shalt  }
0x50: {  	_ =	shalt  }
0x51: {  	_ =	shalt  }
0x52: {  	_ =	shalt  }
0x53: {  	_ =	shalt  }
0x54: {  	_ =	shalt  }
0x55: {  	_ =	shalt  }
0x56: {  	_ =	shalt  }
0x57: {  	_ =	shalt  }
0x58: {  	_ =	shalt  }
0x59: {  	_ =	shalt  }
0x5a: {  	_ =	shalt  }
0x5b: {  	_ =	shalt  }
0x5c: {  	_ =	shalt  }
0x5d: {  	_ =	shalt  }
0x5e: {  	_ =	shalt  }
0x5f: {  	_ =	shalt  }
0x60: {  	_ =	shalt  }
0x61: {  	_ =	shalt  }
0x62: {  	_ =	shalt  }
0x63: {  	_ =	shalt  }
0x64: {  	_ =	shalt  }
0x65: {  	_ =	shalt  }
0x66: {  	_ =	shalt  }
0x67: {  	_ =	shalt  }
0x68: {  	_ =	shalt  }
0x69: {  	_ =	shalt  }
0x6a: {  	_ =	shalt  }
0x6b: {  	_ =	shalt  }
0x6c: {  	_ =	shalt  }
0x6d: {  	_ =	shalt  }
0x6e: {  	_ =	shalt  }
0x6f: {  	_ =	shalt  }
0x70: {  	_ =	shalt  }
0x71: {  	_ =	shalt  }
0x72: {  	_ =	shalt  }
0x73: {  	_ =	shalt  }
0x74: {  	_ =	shalt  }
0x75: {  	_ =	shalt  }
0x76: {  	_ =	shalt  }
0x77: {  	_ =	shalt  }
0x78: {  	_ =	shalt  }
0x79: {  	_ =	shalt  }
0x7a: {  	_ =	shalt  }
0x7b: {  	_ =	shalt  }
0x7c: {  	_ =	shalt  }
0x7d: {  	_ =	shalt  }
0x7e: {  	_ =	shalt  }
0x7f: {  	_ =	shalt  }
0x80: {  	_ =	shalt  }
0x81: {  	_ =	shalt  }
0x82: {  	_ =	shalt  }
0x83: {  	_ =	shalt  }
0x84: {  	_ =	shalt  }
0x85: {  	_ =	shalt  }
0x86: {  	_ =	shalt  }
0x87: {  	_ =	shalt  }
.Lfunc_end0:
.L_simem_size_0:
called_computation.1_lowered:
.L_overlay_start_0:
0x88: {  	s2 =	sld [smem:$0x3FD9]  }
0x89: {  	s3 =	sld [smem:$0x3FFE];
	_ =	sdelay $0x1  }
0x8a: {  	s1 =	srdreg.scid  }
0x8b: {  	s0 =	sand.u32 $0x1, s1  }
0x8c: {  	s17 =	sshll.u32 s0, $0xA;
	s2 =	sadd.s32 s3, s2  }
0x8d: {  	s2 =	sadd.s32 s2, s17  }
0x8e: {  	[smem:$0x3FBD] =	sst s2  }
0x8f: {  	_ = 	snop  }
0x90: {  	s2 =	sld [smem:$0x3FD0];
	(tm) =	ssettm $0x1  }
0x91: {  	s18 =	sld [smem:$0x3FFB];
	_ =	sdelay $0x3  }
0x92: {  	_ =	strace s18  }
0x93: {  	s3 =	sld [smem:$0x3FFC];
	_ =	sdelay $0x3  }
0x94: {  	_ =	strace s3  }
0x95: {  	s3 =	sld [smem:$0x3FFD];
	_ =	sdelay $0x3  }
0x96: {  	_ =	strace s3  }
0x97: {  	_ =	strace $0x8FFFFFFF  }
0x98: {  	s19 =	sld [smem:$0x3FDB];
	_ =	sdelay $0x1  }
0x99: {  	s4 =	simm.s32 $_scs_section_size  }
0x9a: {  	s5 =	simm.s32 $_size__tile_overlayer_lowered;
	s6 =	simm.s32 $_tile_overlayer_lowered  }
0x9b: {  	s22 =	simm.s32 $0x1BFF;
	s21 =	sshll.u32 s6, $0x1;
	s3 =	sadd.s32 s4, s19  }
0x9c: {  	s7 =	simm.s32 $0x0;
	s20 =	sshll.u32 s5, $0x1;
	s5 =	sadd.s32 s21, s3  }
0x9d: {  	[timem:s7], [sflag:s22] =	dma.local [hbm:s5], s20  }
0x9e: {  	_ =	swait.ge [sflag:s22], s20  }
0x9f: {  	s4 =	ssub.s32 $0x0, s20;
	[sflag:s22] =	ssyncset.done $0x0  }
0xa0: {  	[sflag:s22] =	ssyncadd.s32 s4;
	_ =	sdelay $0x1  }
0xa1: {  	s23 =	simm.s32 $0x1B8B  }
0xa2: {  	_ =	swait.ge [sflag:s23], $0x1  }
0xa3: {  	[sflag:s23] =	ssyncset.done $0x0  }
0xa4: {  	s25 =	simm.s32 $0x1B8E;
	s24 =	sld [smem:$0x3FFE];
	[sflag:s23] =	ssyncadd.s32 $0xFFFFFFFF  }
0xa5: {  	s26 =	simm.s32 $execute0_lowered;
	[smem:$0x3FD2] =	sst s25  }
0xa6: {  	s5 =	sshll.u32 s26, $0x1;
	_ =	strace $0x80000049;
	[dreg:$0x1] =	wrdreg $0xFFFFFFFF  }
0xa7: {  	s28 =	simm.s32 $_size_execute0_lowered;
	s3 =	sadd.s32 s3, s5;
	[dreg:$0x0] =	wrdreg $0x0  }
0xa8: {  	s5 =	sshll.u32 s28, $0x1;
	[dreg:$0x2] =	wrdreg s3  }
0xa9: {  	[dreg:$0x3] =	wrdreg s5  }
0xaa: {  	[dreg:$0x4] =	wrdreg $0xC0  }
0xab: {  	_ =	task [dreg:s7], $0x5FFFF  }
0xac: {  	[dreg:$0x1] =	wrdreg $0xFFFFFFFF  }
0xad: {  	[dreg:$0x0] =	wrdreg $0x60  }
0xae: {  	[dreg:$0x2] =	wrdreg s24  }
0xaf: {  	[dreg:$0x3] =	wrdreg s2  }
0xb0: {  	[dreg:$0x4] =	wrdreg $0xAC000  }
0xb1: {  	[dreg:$0x5] =	wrdreg $0x9  }
0xb2: {  	_ =	task.clear_ibuf [dreg:s7], $0x6FFFF;
	_ =	strace $0x90000049  }
0xb3: {  	s29 =	simm.s32 $0x9;
	_ =	strace $0x8000004B  }
0xb4: {  	_ =	swait.ge [sflag:s29], $0x1  }
0xb5: {  	[sflag:s29] =	ssyncadd.s32 $0xFFFFFFFF  }
0xb6: {  	_ =	strace $0x9000004B  }
0xb7: {  	_ =	sfence  }
0xb8: {  	s30 =	sld [smem:$0x0];
	_ =	sdelay $0x2  }
0xb9: {  	s31 =	sshll.u32 s1, $0xD;
	s1 =	sshrl.u32 s1, $0x2  }
0xba: {  	s3 =	sand.u32 $0x4000, s31;
	s1 =	sadd.s32 s1, s30  }
0xbb: {  	s0 =	sor.u32 s3, s0;
	s1 =	sshll.u32 s1, $0x11  }
0xbc: {  	s0 =	sor.u32 s1, s0  }
0xbd: {  	s0 =	sadd.s32 $0x8F2B, s0  }
0xbe: {  	[sflag:s0] =	ssyncadd.remote.s32 $0x1  }
0xbf: {  	_ =	sfence.sel $0xFFFF  }
0xc0: {  	[dreg:$0x0] =	wrdreg $0xFFFFFFFF;
	(pc) =	sbr.abs _section_cstart, $3  }
0xc1: {  	[dreg:$0x1] =	wrdreg $0xFFFFFFFF  }
0xc2: {  	_ =	task.clear_ibuf [dreg:s7], $0x2FFFF;
	_ =	strace $0x9FFFFFFF  }
0xc3: {  	(tm) =	ssettm $0x7FFFFFFF  }
tec
execute0_lowered:
.L_overlay_start_1:
0x0: {  	(tag) =	ssettag $0x1  }
0x1: {  	s5 =	rddreg [dreg:$0x0]  }
0x2: {  	s7 =	rddreg [dreg:$0x1]  }
0x3: {  	s1 =	rddreg [dreg:$0x2]  }
0x4: {  	s2 =	srdreg.scid;
	s0 =	rddreg [dreg:$0x3]  }
0x5: {  	s3 =	simm.s32 $0x0;
	s15 =	simm.s32 $0xA800;
	s16 =	simm.s32 $0x1  }
0x6: {  	s17 =	simm.s32 $0x6800;
	s18 =	simm.s32 $0x2;
	s19 =	simm.s32 $0x1380  }
0x7: {  	s20 =	simm.s32 $0x2700;
	s21 =	simm.s32 $0x2780;
	s22 =	simm.s32 $0x400  }
0x8: {  	s23 =	simm.s32 $0x0;
	s8 =	sand.u32 $0x1, s2;
	[smem:$0x7FF] =	sst s3  }
0x9: {  	s2 =	stileid.u32;
	s4 =	sshll.u32 s8, $0x4;
	_ =	strace $0x8000004A  }
0xa: {  	s10 =	ssub.s32 $0x2, s8;
	s11 =	sshll.u32 s2, $0xA;
	s30 =	sshll.u32 s2, $0x4  }
0xb: {  	s13 =	sshll.u32 s2, $0xD;
	s14 =	sshll.u32 s8, $0xE;
	s9 =	sor.u32 s2, s4  }
0xc: {  	s4 =	sadd.s32 $0x3600, s5;
	s12 =	sshrl.u32 s10, $0x1;
	s11 =	sadd.s32 s11, s5  }
0xd: {  	s6 =	smul.u32 $0x280, s9;
	s10 =	ssub.s32 s10, s12;
	s9 =	sshll.u32 s9, $0x7  }
0xe: {  	s12 =	sand.u32 $0x70, s30;
	s31 =	sadd.s32 s14, s11;
	s11 =	simm.s32 $0x3  }
0xf: {  	s14 =	simm.s32 $0x80;
	s9 =	sand.u32 $0xC00, s9;
	s12 =	sadd.s32 s7, s12  }
0x10: {  	s7 =	sadd.s32 s13, s1;
	s10 =	smax.u32 s10, $0x1;
	s13 =	simm.s32 $0x2800  }
0x11: {  	s6 =	sadd.s32 s6, s5;
	s8 =	sadd.s32 s9, s12;
	s9 =	sadd.s32 $0x17000, s31  }
0x12: {  	v0 =	vimm.f32 $0.0e+00;
	v1 =	vimm.f32 $1.000000000e+00;
	s12 =	simm.s32 $0x1400;
	s5 =	sadd.s32 $0x44600, s6;
	s6 =	sadd.s32 $0x49600, s6  }
.LBB2_1:
0x13: {  	[tilespmem:s3], [sflag:$0x3] =	stream.linear.gather [hbm4b:s5+s3], $0x1400, $0x38;
	[tilespmem:$0xCC00] =	vst v63  }
0x14: {  	_ =	swait.ge [sflag:s11], $0x1400  }
0x15: {  	[sflag:s11] =	ssyncset.done $0x0  }
0x16: {  	[sflag:s11] =	ssyncadd.s32 $0xFFFFEC00  }
0x17: {  	[tilespmem:s12], [sflag:$0x3] =	stream.linear.gather [hbm4b:s6+s3], $0x1400, $0x38;
	[tilespmem:$0xCC00] =	vst v63  }
0x18: {  	_ =	swait.ge [sflag:s11], $0x1400  }
0x19: {  	[sflag:s11] =	ssyncset.done $0x0  }
0x1a: {  	s24 =	simm.s32 $0x0;
	s25 =	simm.s32 $0x200;
	[sflag:s11] =	ssyncadd.s32 $0xFFFFEC00  }
.LBB2_2:
0x1b: {  	p0 =	sne.s32 s25, $0xFE00;
	[tilespmem:s24+$0x2870] =	vst v0  }
0x1c: {  	[tilespmem:s24+$0x2800] =	vst v0  }
0x1d: {  	[tilespmem:s24+$0x2810] =	vst v0  }
.Ltmp0:
0x1e: {  	[tilespmem:s24+$0x2820] =	vst v0;
	(pc) =	sbr.rel @p0 .LBB2_2-.Ltmp0, $4  }
0x1f: {  	[tilespmem:s24+$0x2830] =	vst v0  }
0x20: {  	[tilespmem:s24+$0x2840] =	vst v0  }
0x21: {  	[tilespmem:s24+$0x2850] =	vst v0  }
0x22: {  	[tilespmem:s24+$0x2860] =	vst v0;
	s24 =	sshra.s32 s25, $0x2;
	s25 =	sadd.s32 $0x200, s25  }
0x23: {  	[tilespmem:s24+$0x2870] =	vst v0  }
0x24: {  	[tilespmem:s24+$0x2800] =	vst v0  }
0x25: {  	[tilespmem:s24+$0x2810] =	vst v0  }
0x26: {  	[tilespmem:s24+$0x2820] =	vst v0  }
0x27: {  	[tilespmem:s24+$0x2830] =	vst v0  }
0x28: {  	[tilespmem:s24+$0x2840] =	vst v0  }
0x29: {  	[tilespmem:s24+$0x2850] =	vst v0  }
0x2a: {  	[tilespmem:s24+$0x2860] =	vst v0  }
0x2b: {  	[spmem:s7] =	stream.linear.scatter [tilespmem:s13], [sflag:$0x3], $0x2000, $0x38;
	[tilespmem:$0xCC00] =	vst v63  }
0x2c: {  	_ =	swait.ge [sflag:s11], $0x2000  }
0x2d: {  	[sflag:s11] =	ssyncset.done $0x0  }
0x2e: {  	s24 =	simm.s32 $0x40;
	s25 =	simm.s32 $0x0;
	[sflag:s11] =	ssyncadd.s32 $0xFFFFE000  }
.LBB2_4:
0x2f: {  	p0 =	sne.s32 s24, $0xFC0;
	[tilespmem:s25+$0xA800] =	vst v0;
	s25 =	smov.u32 s24;
	s24 =	sadd.s32 $0x40, s24  }
.Ltmp1:
0x30: {  	(pc) =	sbr.rel @p0 .LBB2_4-.Ltmp1, $2  }
0x31: {  	_ =	sdelay $0x2  }
0x32: {  	s25 =	sshra.s32 s25, $0x2  }
0x33: {  	[tilespmem:s25+$0xA800] =	vst v0  }
0x34: {  	s24 =	simm.s32 $0x0;
	[bflag:$0x0] =	sbarrier.arrive $0xFFFF  }
0x35: {  	[tilespmem:s13], [sflag:$0x1] =	stream.indirect.gather [hbm4b:s4+s14], $0x80, s24, s14, $0xb8;
	[tilespmem:$0xCC00] =	vst v63  }
0x36: {  	v2 =	vld [tilespmem:$0x1400];
	_ =	sdelay $0x7  }
0x37: {  	[tilespmem:v2+s15+$0x0] =	vst.idx.add.f32.msk $0xffff, v1  }
0x38: {  	v2 =	vld [tilespmem:$0x1410];
	_ =	sdelay $0x7  }
0x39: {  	[tilespmem:v2+s15+$0x0] =	vst.idx.add.f32.msk $0xffff, v1  }
0x3a: {  	v2 =	vld [tilespmem:$0x1420];
	_ =	sdelay $0x7  }
0x3b: {  	[tilespmem:v2+s15+$0x0] =	vst.idx.add.f32.msk $0xffff, v1  }
0x3c: {  	v2 =	vld [tilespmem:$0x1430];
	_ =	sdelay $0x7  }
0x3d: {  	[tilespmem:v2+s15+$0x0] =	vst.idx.add.f32.msk $0xffff, v1  }
0x3e: {  	v2 =	vld [tilespmem:$0x1440];
	_ =	sdelay $0x7  }
0x3f: {  	[tilespmem:v2+s15+$0x0] =	vst.idx.add.f32.msk $0xffff, v1  }
0x40: {  	v2 =	vld [tilespmem:$0x1450];
	_ =	sdelay $0x7  }
0x41: {  	[tilespmem:v2+s15+$0x0] =	vst.idx.add.f32.msk $0xffff, v1  }
0x42: {  	v2 =	vld [tilespmem:$0x1460];
	_ =	sdelay $0x7  }
0x43: {  	[tilespmem:v2+s15+$0x0] =	vst.idx.add.f32.msk $0xffff, v1  }
0x44: {  	v2 =	vld [tilespmem:$0x1470];
	_ =	sdelay $0x7  }
0x45: {  	[tilespmem:v2+s15+$0x0] =	vst.idx.add.f32.msk $0xffff, v1  }
.LBB2_6:
0x46: {  	_ =	swait.ge [sflag:s16], $0x4000  }
0x47: {  	s25 =	sshra.s32 s24, $0x2;
	[sflag:s16] =	ssyncset.done $0x0  }
0x48: {  	s26 =	sadd.s32 $0x80, s25;
	[sflag:s16] =	ssyncadd.s32 $0xFFFFC000  }
0x49: {  	[tilespmem:s17], [sflag:$0x2] =	stream.indirect.gather [hbm4b:s4+s14], $0x80, s26, s14, $0xb8;
	[tilespmem:$0xCC00] =	vst v63  }
0x4a: {  	v2 =	vld [tilespmem:s25+$0x1480];
	_ =	sdelay $0x7  }
0x4b: {  	[tilespmem:v2+s15+$0x0] =	vst.idx.add.f32.msk $0xffff, v1  }
0x4c: {  	v2 =	vld [tilespmem:s25+$0x1490];
	_ =	sdelay $0x7  }
0x4d: {  	[tilespmem:v2+s15+$0x0] =	vst.idx.add.f32.msk $0xffff, v1  }
0x4e: {  	v2 =	vld [tilespmem:s25+$0x14A0];
	_ =	sdelay $0x7  }
0x4f: {  	[tilespmem:v2+s15+$0x0] =	vst.idx.add.f32.msk $0xffff, v1  }
0x50: {  	v2 =	vld [tilespmem:s25+$0x14B0];
	_ =	sdelay $0x7  }
0x51: {  	[tilespmem:v2+s15+$0x0] =	vst.idx.add.f32.msk $0xffff, v1  }
0x52: {  	v2 =	vld [tilespmem:s25+$0x14C0];
	_ =	sdelay $0x7  }
0x53: {  	[tilespmem:v2+s15+$0x0] =	vst.idx.add.f32.msk $0xffff, v1  }
0x54: {  	v2 =	vld [tilespmem:s25+$0x14D0];
	_ =	sdelay $0x7  }
0x55: {  	[tilespmem:v2+s15+$0x0] =	vst.idx.add.f32.msk $0xffff, v1  }
0x56: {  	v2 =	vld [tilespmem:s25+$0x14E0];
	_ =	sdelay $0x7  }
0x57: {  	[tilespmem:v2+s15+$0x0] =	vst.idx.add.f32.msk $0xffff, v1  }
0x58: {  	v2 =	vld [tilespmem:s25+$0x14F0];
	_ =	sdelay $0x7  }
0x59: {  	s30 =	sadd.s32 $0x1400, s25;
	[tilespmem:v2+s15+$0x0] =	vst.idx.add.f32.msk $0xffff, v1  }
0x5a: {  	[spmem:s1] =	stream.indirect.scatter.add.f32 [tilespmem:s13], [sflag:$0x3], $0x80, s30, s14, $0xb8;
	[tilespmem:$0xCC00] =	vst v63  }
0x5b: {  	_ =	swait.ge [sflag:s11], $0x4000  }
0x5c: {  	[sflag:s11] =	ssyncset.done $0x0  }
0x5d: {  	[sflag:s11] =	ssyncadd.s32 $0xFFFFC000  }
0x5e: {  	_ =	swait.ge [sflag:s18], $0x4000  }
0x5f: {  	[sflag:s18] =	ssyncset.done $0x0  }
0x60: {  	s31 =	sadd.s32 $0x100, s25;
	[sflag:s18] =	ssyncadd.s32 $0xFFFFC000  }
0x61: {  	[tilespmem:s13], [sflag:$0x1] =	stream.indirect.gather [hbm4b:s4+s14], $0x80, s31, s14, $0xb8;
	[tilespmem:$0xCC00] =	vst v63  }
0x62: {  	v2 =	vld [tilespmem:s25+$0x1500];
	_ =	sdelay $0x7  }
0x63: {  	[tilespmem:v2+s15+$0x0] =	vst.idx.add.f32.msk $0xffff, v1  }
0x64: {  	v2 =	vld [tilespmem:s25+$0x1510];
	_ =	sdelay $0x7  }
0x65: {  	[tilespmem:v2+s15+$0x0] =	vst.idx.add.f32.msk $0xffff, v1  }
0x66: {  	v2 =	vld [tilespmem:s25+$0x1520];
	_ =	sdelay $0x7  }
0x67: {  	[tilespmem:v2+s15+$0x0] =	vst.idx.add.f32.msk $0xffff, v1  }
0x68: {  	v2 =	vld [tilespmem:s25+$0x1530];
	_ =	sdelay $0x7  }
0x69: {  	[tilespmem:v2+s15+$0x0] =	vst.idx.add.f32.msk $0xffff, v1  }
0x6a: {  	v2 =	vld [tilespmem:s25+$0x1540];
	_ =	sdelay $0x7  }
0x6b: {  	[tilespmem:v2+s15+$0x0] =	vst.idx.add.f32.msk $0xffff, v1  }
0x6c: {  	v2 =	vld [tilespmem:s25+$0x1550];
	_ =	sdelay $0x7  }
0x6d: {  	[tilespmem:v2+s15+$0x0] =	vst.idx.add.f32.msk $0xffff, v1  }
0x6e: {  	v2 =	vld [tilespmem:s25+$0x1560];
	_ =	sdelay $0x7  }
0x6f: {  	[tilespmem:v2+s15+$0x0] =	vst.idx.add.f32.msk $0xffff, v1  }
0x70: {  	v2 =	vld [tilespmem:s25+$0x1570];
	_ =	sdelay $0x6  }
0x71: {  	p0 =	sne.s32 s24, $0x4800  }
.Ltmp2:
0x72: {  	s25 =	sadd.s32 $0x1480, s25;
	[tilespmem:v2+s15+$0x0] =	vst.idx.add.f32.msk $0xffff, v1;
	(pc) =	sbr.rel @p0 .LBB2_6-.Ltmp2, $4  }
0x73: {  	[spmem:s1] =	stream.indirect.scatter.add.f32 [tilespmem:s17], [sflag:$0x3], $0x80, s25, s14, $0xb8;
	[tilespmem:$0xCC00] =	vst v63  }
0x74: {  	_ =	swait.ge [sflag:s11], $0x4000  }
0x75: {  	[sflag:s11] =	ssyncset.done $0x0  }
0x76: {  	s24 =	sadd.s32 $0x400, s24;
	[sflag:s11] =	ssyncadd.s32 $0xFFFFC000  }
0x77: {  	_ =	swait.ge [sflag:s16], $0x4000  }
0x78: {  	[sflag:s16] =	ssyncset.done $0x0  }
0x79: {  	[sflag:s16] =	ssyncadd.s32 $0xFFFFC000  }
0x7a: {  	[tilespmem:s17], [sflag:$0x2] =	stream.indirect.gather [hbm4b:s4+s14], $0x80, s19, s14, $0xb8;
	[tilespmem:$0xCC00] =	vst v63  }
0x7b: {  	v2 =	vld [tilespmem:$0x2780];
	_ =	sdelay $0x7  }
0x7c: {  	[tilespmem:v2+s15+$0x0] =	vst.idx.add.f32.msk $0xffff, v1  }
0x7d: {  	v2 =	vld [tilespmem:$0x2790];
	_ =	sdelay $0x7  }
0x7e: {  	[tilespmem:v2+s15+$0x0] =	vst.idx.add.f32.msk $0xffff, v1  }
0x7f: {  	v2 =	vld [tilespmem:$0x27A0];
	_ =	sdelay $0x7  }
0x80: {  	[tilespmem:v2+s15+$0x0] =	vst.idx.add.f32.msk $0xffff, v1  }
0x81: {  	v2 =	vld [tilespmem:$0x27B0];
	_ =	sdelay $0x7  }
0x82: {  	[tilespmem:v2+s15+$0x0] =	vst.idx.add.f32.msk $0xffff, v1  }
0x83: {  	v2 =	vld [tilespmem:$0x27C0];
	_ =	sdelay $0x7  }
0x84: {  	[tilespmem:v2+s15+$0x0] =	vst.idx.add.f32.msk $0xffff, v1  }
0x85: {  	v2 =	vld [tilespmem:$0x27D0];
	_ =	sdelay $0x7  }
0x86: {  	[tilespmem:v2+s15+$0x0] =	vst.idx.add.f32.msk $0xffff, v1  }
0x87: {  	v2 =	vld [tilespmem:$0x27E0];
	_ =	sdelay $0x7  }
0x88: {  	[tilespmem:v2+s15+$0x0] =	vst.idx.add.f32.msk $0xffff, v1  }
0x89: {  	v2 =	vld [tilespmem:$0x27F0];
	_ =	sdelay $0x7  }
0x8a: {  	[tilespmem:v2+s15+$0x0] =	vst.idx.add.f32.msk $0xffff, v1  }
0x8b: {  	[spmem:s1] =	stream.indirect.scatter.add.f32 [tilespmem:s13], [sflag:$0x3], $0x80, s20, s14, $0xb8;
	[tilespmem:$0xCC00] =	vst v63  }
0x8c: {  	_ =	swait.ge [sflag:s11], $0x4000  }
0x8d: {  	[sflag:s11] =	ssyncset.done $0x0  }
0x8e: {  	[sflag:s11] =	ssyncadd.s32 $0xFFFFC000  }
0x8f: {  	_ =	swait.ge [sflag:s18], $0x4000  }
0x90: {  	[sflag:s18] =	ssyncset.done $0x0  }
0x91: {  	[sflag:s18] =	ssyncadd.s32 $0xFFFFC000  }
0x92: {  	[tilespmem:s13], [sflag:$0x1] =	stream.indirect.gather [hbm4b:s4+s14], $0x80, s19, s14, $0xb8;
	[tilespmem:$0xCC00] =	vst v63  }
0x93: {  	_ = 	snop  }
0x94: {  	[spmem:s1] =	stream.indirect.scatter.add.f32 [tilespmem:s17], [sflag:$0x3], $0x80, s21, s14, $0xb8;
	[tilespmem:$0xCC00] =	vst v63  }
0x95: {  	_ =	swait.ge [sflag:s11], $0x4000  }
0x96: {  	[sflag:s11] =	ssyncset.done $0x0  }
0x97: {  	[sflag:s11] =	ssyncadd.s32 $0xFFFFC000  }
0x98: {  	_ =	swait.ge [sflag:s16], $0x4000  }
0x99: {  	[sflag:s16] =	ssyncset.done $0x0  }
0x9a: {  	[sflag:s16] =	ssyncadd.s32 $0xFFFFC000  }
0x9b: {  	[hbm4b:s8+s14] =	stream.strided.scatter [tilespmem:s15], [sflag:$0x3], $0x400, s22, s14, $0x38;
	[tilespmem:$0xCC00] =	vst v63  }
0x9c: {  	_ =	swait.ge [sflag:s11], $0x400  }
0x9d: {  	s24 =	sshll.u32 s2, $0x6;
	s23 =	sadd.s32 $0x1, s23;
	[sflag:s11] =	ssyncset.done $0x0  }
0x9e: {  	s25 =	sshrl.u32 s7, $0x3;
	p0 =	sne.s32 s23, s10;
	[sflag:s11] =	ssyncadd.s32 $0xFFFFFC00  }
.Ltmp3:
0x9f: {  	s24 =	sor.u32 $0x1C03, s24;
	[bflag:$0x0] =	sbarrier.arrive $0xFFFF;
	(pc) =	sbr.rel @p0 .LBB2_1-.Ltmp3, $4  }
0xa0: {  	[hbm:s9], [sflag:s24] =	dma.local [spmem:s25], $0x400  }
0xa1: {  	_ =	swait.ge [sflag:s11], $0x400  }
0xa2: {  	[sflag:s11] =	ssyncset.done $0x0  }
0xa3: {  	[sflag:s11] =	ssyncadd.s32 $0xFFFFFC00  }
0xa4: {  	_ =	sfence.sel $0x180000  }
0xa5: {  	[bflag:$0x0] =	sbarrier.arrive $0xFFFF  }
0xa6: {  	p0 =	sne.s32 s2, $0x0;
	_ =	strace $0x9000004A  }
0xa7: {  	s0 =	sadd.s32 @!p0 $0x100000, s0;
	[bflag:$0x2] =	sbarrier.arrive $0xFFFF  }
0xa8: {  	[sflag:s0] =	ssyncadd.tile.s32 @!p0 $0x1;
	_ =	shalt  }
.Lfunc_end2:
_tile_overlayer_lowered:
.L_overlay_start_2:
0xa9: {  	(tag) =	ssettag $0x2  }
0xaa: {  	s0 =	rddreg [dreg:$0x0];
	s2 =	stileid.u32  }
0xab: {  	s1 =	rddreg [dreg:$0x1];
	p0 =	sne.s32 s2, $0x0  }
0xac: {  	s3 =	rddreg [dreg:$0x2];
	[bflag:$0x3] =	sbarrier.arrive $0xFFFF;
	s2 =	simm.s32 @!p0 $0x1C03  }
0xad: {  	[timem:s3], [sflag:s2] =	dma.local @!p0 [hbm:s0], s1  }
0xae: {  	s0 =	simm.s32 @!p0 $0x3  }
0xaf: {  	_ =	swait.ge @!p0 [sflag:s0], s1  }
0xb0: {  	s1 =	ssub.s32 @!p0 $0x0, s1;
	[sflag:s0] =	ssyncset.done @!p0 $0x0  }
0xb1: {  	[sflag:s0] =	ssyncadd.s32 @!p0 s1  }
0xb2: {  	[bflag:$0x3] =	sbarrier.arrive $0xFFFF  }
0xb3: {  	_ =	shalt  }

</sc_bundles>
